<compile_context>
chip_gen: v7x
topology: tpu7x:2x2x1
jax: 0.10.2.dev20260603
libtpu: 0.0.44.dev20260713+nightly
codegen_flags: <defaults>
</compile_context>

<pallas_src>
import functools

import jax
import jax.numpy as jnp
from jax import lax
from jax.experimental import pallas as pl
from jax.experimental.pallas import tpu as pltpu
from jax.experimental.pallas import tpu_sc as plsc

N = 10000
E = 320000
D_IN = 128
H = 128
N_OUT = 2

NP = 10240
NC = 2
NS = 16
NW = NC * NS
EPW = E // NW
CHUNK = 80
NCHUNK = EPW // CHUNK
RPT = NP // NS

_sc_mesh = plsc.VectorSubcoreMesh(core_axis_name="c", subcore_axis_name="s")


def _deg_body(dst_hbm, out_hbm, didx_v, ones_v, zb_v, acc_sh):
    c = lax.axis_index("c")
    s = lax.axis_index("s")
    wid = s * NC + c
    pltpu.sync_copy(dst_hbm.at[pl.ds(wid * EPW, EPW)], didx_v)
    for g in range(CHUNK // 16):
        ones_v[pl.ds(g * 16, 16)] = jnp.ones((16,), jnp.float32)
        zb_v[pl.ds(g * 16, 16)] = jnp.zeros((16,), jnp.float32)
    for k in range(RPT // CHUNK):
        pltpu.sync_copy(zb_v, acc_sh.at[pl.ds(s * RPT + k * CHUNK, CHUNK)])
    plsc.subcore_barrier()

    def step(i, carry):
        pltpu.sync_copy(
            ones_v, acc_sh.at[didx_v.at[pl.ds(i * CHUNK, CHUNK)]], add=True)
        return carry

    lax.fori_loop(0, NCHUNK, step, 0)
    plsc.subcore_barrier()
    pltpu.sync_copy(acc_sh.at[pl.ds(s * RPT, RPT)], out_hbm.at[c, pl.ds(s * RPT, RPT)])


_deg_call = pl.kernel(
    _deg_body,
    out_type=jax.ShapeDtypeStruct((NC, NP), jnp.float32),
    mesh=_sc_mesh,
    scratch_types=[
        pltpu.VMEM((EPW,), jnp.int32),
        pltpu.VMEM((CHUNK,), jnp.float32),
        pltpu.VMEM((CHUNK,), jnp.float32),
        pltpu.VMEM_SHARED((NP,), jnp.float32),
    ],
)


def _agg_body(src_hbm, dst_hbm, table_hbm, out_hbm,
              sidx_v, didx_v, rows0_v, rows1_v, acc_sh, sem0, sem1):
    c = lax.axis_index("c")
    s = lax.axis_index("s")
    wid = s * NC + c
    pltpu.sync_copy(src_hbm.at[pl.ds(wid * EPW, EPW)], sidx_v)
    pltpu.sync_copy(dst_hbm.at[pl.ds(wid * EPW, EPW)], didx_v)

    def zrow(r, carry):
        for g in range(H // 16):
            rows0_v[r, pl.ds(g * 16, 16)] = jnp.zeros((16,), jnp.float32)
        return carry

    lax.fori_loop(0, CHUNK, zrow, 0)
    for k in range(RPT // CHUNK):
        pltpu.sync_copy(rows0_v, acc_sh.at[pl.ds(s * RPT + k * CHUNK, CHUNK)])
    plsc.subcore_barrier()

    def gather(i, buf, sem):
        return pltpu.async_copy(
            table_hbm.at[sidx_v.at[pl.ds(i * CHUNK, CHUNK)]], buf, sem)

    def wait(i, buf, sem):
        pltpu.make_async_copy(
            table_hbm.at[sidx_v.at[pl.ds(i * CHUNK, CHUNK)]], buf, sem).wait()

    def scat(i, buf):
        pltpu.sync_copy(
            buf, acc_sh.at[didx_v.at[pl.ds(i * CHUNK, CHUNK)]], add=True)

    gather(0, rows0_v, sem0)

    def step(j, carry):
        i = 2 * j
        gather(i + 1, rows1_v, sem1)
        wait(i, rows0_v, sem0)
        scat(i, rows0_v)
        gather(i + 2, rows0_v, sem0)
        wait(i + 1, rows1_v, sem1)
        scat(i + 1, rows1_v)
        return carry

    lax.fori_loop(0, (NCHUNK - 1) // 2, step, 0)
    wait(NCHUNK - 1, rows0_v, sem0)
    scat(NCHUNK - 1, rows0_v)
    plsc.subcore_barrier()
    pltpu.sync_copy(acc_sh.at[pl.ds(s * RPT, RPT)], out_hbm.at[c, pl.ds(s * RPT, RPT)])


_agg_call = pl.kernel(
    _agg_body,
    out_type=jax.ShapeDtypeStruct((NC, NP, H), jnp.float32),
    mesh=_sc_mesh,
    scratch_types=[
        pltpu.VMEM((EPW,), jnp.int32),
        pltpu.VMEM((EPW,), jnp.int32),
        pltpu.VMEM((CHUNK, H), jnp.float32),
        pltpu.VMEM((CHUNK, H), jnp.float32),
        pltpu.VMEM_SHARED((NP, H), jnp.float32),
        pltpu.SemaphoreType.DMA,
        pltpu.SemaphoreType.DMA,
    ],
)

ROWS_B = 2000


def _k1_body(x_ref, w0_ref, b0_ref, wc0_ref, degp_ref,
             t1s_ref, tself_ref):
    h0 = jnp.maximum(
        jnp.dot(x_ref[...], w0_ref[...], preferred_element_type=jnp.float32)
        + b0_ref[...], 0.0)
    t1 = jnp.dot(h0, wc0_ref[...], preferred_element_type=jnp.float32)
    deg = degp_ref[0] + degp_ref[1] + 1.0
    dis = 1.0 / jnp.sqrt(deg)
    dinv = 1.0 / deg
    t1s_ref[...] = t1 * dis
    tself_ref[...] = t1 * dinv


_k1_call = pl.pallas_call(
    _k1_body,
    grid=(N // ROWS_B,),
    in_specs=[
        pl.BlockSpec((ROWS_B, D_IN), lambda i: (i, 0)),
        pl.BlockSpec((D_IN, H), lambda i: (0, 0)),
        pl.BlockSpec((1, H), lambda i: (0, 0)),
        pl.BlockSpec((H, H), lambda i: (0, 0)),
        pl.BlockSpec((NC, ROWS_B, 1), lambda i: (0, i, 0)),
    ],
    out_specs=[
        pl.BlockSpec((ROWS_B, H), lambda i: (i, 0)),
        pl.BlockSpec((ROWS_B, H), lambda i: (i, 0)),
    ],
    out_shape=[
        jax.ShapeDtypeStruct((N, H), jnp.float32),
        jax.ShapeDtypeStruct((N, H), jnp.float32),
    ],
)


def _k4_body(p_ref, tself_ref, degp_ref, b_ref, w_ref,
             t2s_ref, tself2_ref):
    deg = degp_ref[0] + degp_ref[1] + 1.0
    dis = 1.0 / jnp.sqrt(deg)
    dinv = 1.0 / deg
    agg = (p_ref[0] + p_ref[1]) * dis + tself_ref[...] + b_ref[...]
    t2 = jnp.dot(agg, w_ref[...], preferred_element_type=jnp.float32)
    t2s_ref[...] = t2 * dis
    tself2_ref[...] = t2 * dinv


_k4_call = pl.pallas_call(
    _k4_body,
    grid=(N // ROWS_B,),
    in_specs=[
        pl.BlockSpec((NC, ROWS_B, H), lambda i: (0, i, 0)),
        pl.BlockSpec((ROWS_B, H), lambda i: (i, 0)),
        pl.BlockSpec((NC, ROWS_B, 1), lambda i: (0, i, 0)),
        pl.BlockSpec((1, H), lambda i: (0, 0)),
        pl.BlockSpec((H, H), lambda i: (0, 0)),
    ],
    out_specs=[
        pl.BlockSpec((ROWS_B, H), lambda i: (i, 0)),
        pl.BlockSpec((ROWS_B, H), lambda i: (i, 0)),
    ],
    out_shape=[
        jax.ShapeDtypeStruct((N, H), jnp.float32),
        jax.ShapeDtypeStruct((N, H), jnp.float32),
    ],
)


def _k6_body(q_ref, tself_ref, degp_ref, b_ref, w_ref, bh_ref, out_ref):
    deg = degp_ref[0] + degp_ref[1] + 1.0
    dis = 1.0 / jnp.sqrt(deg)
    agg = (q_ref[0] + q_ref[1]) * dis + tself_ref[...] + b_ref[...]
    out_ref[...] = (
        jnp.dot(agg, w_ref[...], preferred_element_type=jnp.float32) + bh_ref[...]
    )


_k6_call = pl.pallas_call(
    _k6_body,
    grid=(N // ROWS_B,),
    in_specs=[
        pl.BlockSpec((NC, ROWS_B, H), lambda i: (0, i, 0)),
        pl.BlockSpec((ROWS_B, H), lambda i: (i, 0)),
        pl.BlockSpec((NC, ROWS_B, 1), lambda i: (0, i, 0)),
        pl.BlockSpec((1, H), lambda i: (0, 0)),
        pl.BlockSpec((H, N_OUT), lambda i: (0, 0)),
        pl.BlockSpec((1, N_OUT), lambda i: (0, 0)),
    ],
    out_specs=[pl.BlockSpec((ROWS_B, N_OUT), lambda i: (i, 0))],
    out_shape=[jax.ShapeDtypeStruct((N, N_OUT), jnp.float32)],
)


@jax.jit
def _run(edge_index, x, W0, b0, Wc0, bc0, Wc1, bc1, Wh, bh):
    src1 = edge_index[0]
    dst1 = edge_index[1]
    degp = _deg_call(dst1).reshape(NC, NP, 1)

    t1s, tself1 = _k1_call(x, W0, b0.reshape(1, H), Wc0, degp)

    p = _agg_call(src1, dst1, t1s)
    t2s, tself2 = _k4_call(p, tself1, degp, bc0.reshape(1, H), Wc1)

    q = _agg_call(src1, dst1, t2s)
    (out,) = _k6_call(
        q, tself2, degp, bc1.reshape(1, H), Wh, bh.reshape(1, N_OUT))
    return out


def kernel(edge_index, x, W0, b0, Wc0, bc0, Wc1, bc1, Wh, bh):
    return _run(edge_index, x, W0, b0, Wc0, bc0, Wc1, bc1, Wh, bh)

# --- scband reference (transcript-rebuilt; emitter-appended) ---
"""Pipeline reference for scband-simple-gcn-28965259444794 (READ-ONLY COPY).

The authoritative reference and input builder live on the scoring server;
editing this copy changes nothing except your own understanding.
"""

import jax, jax.numpy as jnp
import numpy as np

N = 10000
E = 320000
D_IN = 128
H = 128
N_OUT = 2


def setup_inputs(seed: int = 0) -> dict:
    key = jax.random.key(seed)
    ks = jax.random.split(key, 12)
    x = jax.random.normal(ks[0], (N, D_IN), dtype=jnp.float32)
    edge_index = jax.random.randint(ks[1], (2, E), 0, N, dtype=jnp.int32)
    W0 = jax.random.normal(ks[2], (D_IN, H), dtype=jnp.float32) / np.sqrt(D_IN)
    b0 = jnp.zeros((H,), dtype=jnp.float32)
    Wc0 = jax.random.normal(ks[3], (H, H), dtype=jnp.float32) / np.sqrt(H)
    bc0 = jnp.zeros((H,), dtype=jnp.float32)
    Wc1 = jax.random.normal(ks[4], (H, H), dtype=jnp.float32) / np.sqrt(H)
    bc1 = jnp.zeros((H,), dtype=jnp.float32)
    Wh = jax.random.normal(ks[5], (H, N_OUT), dtype=jnp.float32) / np.sqrt(H)
    bh = jnp.zeros((N_OUT,), dtype=jnp.float32)
    return {"edge_index": edge_index, "x": x, "W0": W0, "b0": b0,
            "Wc0": Wc0, "bc0": bc0, "Wc1": Wc1, "bc1": bc1, "Wh": Wh, "bh": bh}


def _gcn_conv(h, edge_index, W, b):
    # Faithful GCNConv: add self-loops, symmetric normalization, linear transform,
    # scatter-add aggregation (source_to_target), then bias.
    hW = h @ W
    loop = jnp.arange(N, dtype=edge_index.dtype)
    src = jnp.concatenate([edge_index[0], loop])
    dst = jnp.concatenate([edge_index[1], loop])
    ones = jnp.ones(src.shape[0], dtype=h.dtype)
    deg = jnp.zeros((N,), dtype=h.dtype).at[dst].add(ones)
    deg_inv_sqrt = jnp.where(deg > 0, 1.0 / jnp.sqrt(deg), 0.0)
    norm = deg_inv_sqrt[src] * deg_inv_sqrt[dst]
    msgs = hW[src] * norm[:, None]
    agg = jnp.zeros_like(hW).at[dst].add(msgs)
    return agg + b


def reference(edge_index, x, W0, b0, Wc0, bc0, Wc1, bc1, Wh, bh):
    # NodeInitializer: Linear -> ReLU (dropout is identity in eval mode)
    h = jax.nn.relu(x @ W0 + b0)
    # Two GCNConv layers (PYG branch: no extra relu, dropout identity in eval)
    h = _gcn_conv(h, edge_index, Wc0, bc0)
    h = _gcn_conv(h, edge_index, Wc1, bc1)
    out = h @ Wh + bh
    return out

if __name__ == "__main__":
    import jax
    _d = setup_inputs()
    print(jax.jit(kernel)(*tuple(_d.values())))

</pallas_src>

<mosaic_0001>
#map = affine_map<(d0, d1) -> (0)>
#map1 = affine_map<(d0, d1) -> (0, 0)>
#map2 = affine_map<(d0, d1) -> (0, 0, 0)>
module attributes {stable_mosaic.version = 14 : i64} {
  func.func @_agg_body(%arg0: i32, %arg1: i32, %arg2: memref<320000xi32, #tpu.memory_space<hbm>>, %arg3: memref<320000xi32, #tpu.memory_space<hbm>>, %arg4: memref<10000x128xf32, #tpu.memory_space<hbm>>, %arg5: memref<2x10240x128xf32, #tpu.memory_space<hbm>>, %arg6: memref<10000xi32, #tpu.memory_space<vmem>>, %arg7: memref<10000xi32, #tpu.memory_space<vmem>>, %arg8: memref<80x128xf32, #tpu.memory_space<vmem>>, %arg9: memref<80x128xf32, #tpu.memory_space<vmem>>, %arg10: memref<10240x128xf32, #tpu.memory_space<vmem_shared>>, %arg11: memref<!tpu.dma_semaphore, #tpu.memory_space<semaphore_mem>>, %arg12: memref<!tpu.dma_semaphore, #tpu.memory_space<semaphore_mem>>) attributes {dimension_semantics = [#tpu.dimension_semantics<core_parallel>, #tpu.dimension_semantics<subcore_parallel>], iteration_bounds = array<i64: 2, 16>, scalar_prefetch = 0 : i64, scratch_operands = 7 : i64, tpu.core_type = #tpu.core_type<sc_vector_subcore>, window_params = [{transform_indices = #map}, {transform_indices = #map}, {transform_indices = #map1}, {transform_indices = #map2}]} {
    %mul3A = arith.constant 2 : i32
    %mul3A_0 = arith.muli %arg1, %mul3A : i32
    %add3A = arith.addi %mul3A_0, %arg0 : i32
    %mul3A_1 = arith.constant 10000 : i32
    %mul3A_2 = arith.muli %add3A, %mul3A_1 : i32
    "tpu.region"() ({
      %run_scoped3A = tpu.sem_alloc : memref<!tpu.dma_semaphore, #tpu.memory_space<semaphore_mem>>
      %dma_start3A_61 = tpu.memref_slice %arg2[%mul3A_2] : memref<320000xi32, #tpu.memory_space<hbm>> -> memref<10000xi32, #tpu.memory_space<hbm>>
      %dma_start3A_62 = tpu.memref_slice %arg2[%mul3A_2] : memref<320000xi32, #tpu.memory_space<hbm>> -> memref<10000xi32, #tpu.memory_space<hbm>>
      tpu.enqueue_dma source(%dma_start3A_62 : memref<10000xi32, #tpu.memory_space<hbm>>) target(%arg6 : memref<10000xi32, #tpu.memory_space<vmem>>) target_semaphore(%run_scoped3A : memref<!tpu.dma_semaphore, #tpu.memory_space<semaphore_mem>>)
      %dma_wait3A_63 = tpu.memref_slice %arg2[%mul3A_2] : memref<320000xi32, #tpu.memory_space<hbm>> -> memref<10000xi32, #tpu.memory_space<hbm>>
      %dma_wait3A_64 = tpu.memref_slice %arg2[%mul3A_2] : memref<320000xi32, #tpu.memory_space<hbm>> -> memref<10000xi32, #tpu.memory_space<hbm>>
      tpu.wait_dma2 semaphore(%run_scoped3A : memref<!tpu.dma_semaphore, #tpu.memory_space<semaphore_mem>>) src(%dma_wait3A_64 : memref<10000xi32, #tpu.memory_space<hbm>>) dst(%arg6 : memref<10000xi32, #tpu.memory_space<vmem>>)
      tpu.yield
    }) : () -> ()
    %mul3A_3 = arith.constant 10000 : i32
    %mul3A_4 = arith.muli %add3A, %mul3A_3 : i32
    "tpu.region"() ({
      %run_scoped3A = tpu.sem_alloc : memref<!tpu.dma_semaphore, #tpu.memory_space<semaphore_mem>>
      %dma_start3A_61 = tpu.memref_slice %arg3[%mul3A_4] : memref<320000xi32, #tpu.memory_space<hbm>> -> memref<10000xi32, #tpu.memory_space<hbm>>
      %dma_start3A_62 = tpu.memref_slice %arg3[%mul3A_4] : memref<320000xi32, #tpu.memory_space<hbm>> -> memref<10000xi32, #tpu.memory_space<hbm>>
      tpu.enqueue_dma source(%dma_start3A_62 : memref<10000xi32, #tpu.memory_space<hbm>>) target(%arg7 : memref<10000xi32, #tpu.memory_space<vmem>>) target_semaphore(%run_scoped3A : memref<!tpu.dma_semaphore, #tpu.memory_space<semaphore_mem>>)
      %dma_wait3A_63 = tpu.memref_slice %arg3[%mul3A_4] : memref<320000xi32, #tpu.memory_space<hbm>> -> memref<10000xi32, #tpu.memory_space<hbm>>
      %dma_wait3A_64 = tpu.memref_slice %arg3[%mul3A_4] : memref<320000xi32, #tpu.memory_space<hbm>> -> memref<10000xi32, #tpu.memory_space<hbm>>
      tpu.wait_dma2 semaphore(%run_scoped3A : memref<!tpu.dma_semaphore, #tpu.memory_space<semaphore_mem>>) src(%dma_wait3A_64 : memref<10000xi32, #tpu.memory_space<hbm>>) dst(%arg7 : memref<10000xi32, #tpu.memory_space<vmem>>)
      tpu.yield
    }) : () -> ()
    %scan3A = arith.constant 0 : i32
    %scan3A_5 = arith.constant 0 : i32
    %scan3A_6 = arith.constant 80 : i32
    %scan3A_7 = arith.addi %scan3A_5, %scan3A_6 : i32
    %scan3A_8 = arith.constant 1 : i32
    scf.for %scan3A_61 = %scan3A_5 to %scan3A_7 step %scan3A_8  : i32 {
      %broadcast_in_dim3A = arith.constant 0.000000e+00 : f32
      %broadcast_in_dim3A_62 = vector.broadcast %broadcast_in_dim3A : f32 to vector<16xf32>
      %swap3A = arith.index_cast %scan3A_61 : i32 to index
      %swap3A_63 = arith.constant 0 : index
      %swap3A_64 = tpu.vector_load %arg8[%swap3A, %swap3A_63] {strides = array<i32>} : memref<80x128xf32, #tpu.memory_space<vmem>>, vector<1x16xf32>,
      %swap3A_65 = vector.shape_cast %swap3A_64 : vector<1x16xf32> to vector<16xf32>
      %swap3A_66 = vector.shape_cast %broadcast_in_dim3A_62 : vector<16xf32> to vector<1x16xf32>
      tpu.vector_store %arg8[%swap3A, %swap3A_63], %swap3A_66 {strides = array<i32>} : memref<80x128xf32, #tpu.memory_space<vmem>>, vector<1x16xf32>,
      %broadcast_in_dim3A_67 = arith.constant 0.000000e+00 : f32
      %broadcast_in_dim3A_68 = vector.broadcast %broadcast_in_dim3A_67 : f32 to vector<16xf32>
      %swap3A_69 = arith.index_cast %scan3A_61 : i32 to index
      %swap3A_70 = arith.constant 16 : index
      %swap3A_71 = tpu.vector_load %arg8[%swap3A_69, %swap3A_70] {strides = array<i32>} : memref<80x128xf32, #tpu.memory_space<vmem>>, vector<1x16xf32>,
      %swap3A_72 = vector.shape_cast %swap3A_71 : vector<1x16xf32> to vector<16xf32>
      %swap3A_73 = vector.shape_cast %broadcast_in_dim3A_68 : vector<16xf32> to vector<1x16xf32>
      tpu.vector_store %arg8[%swap3A_69, %swap3A_70], %swap3A_73 {strides = array<i32>} : memref<80x128xf32, #tpu.memory_space<vmem>>, vector<1x16xf32>,
      %broadcast_in_dim3A_74 = arith.constant 0.000000e+00 : f32
      %broadcast_in_dim3A_75 = vector.broadcast %broadcast_in_dim3A_74 : f32 to vector<16xf32>
      %swap3A_76 = arith.index_cast %scan3A_61 : i32 to index
      %swap3A_77 = arith.constant 32 : index
      %swap3A_78 = tpu.vector_load %arg8[%swap3A_76, %swap3A_77] {strides = array<i32>} : memref<80x128xf32, #tpu.memory_space<vmem>>, vector<1x16xf32>,
      %swap3A_79 = vector.shape_cast %swap3A_78 : vector<1x16xf32> to vector<16xf32>
      %swap3A_80 = vector.shape_cast %broadcast_in_dim3A_75 : vector<16xf32> to vector<1x16xf32>
      tpu.vector_store %arg8[%swap3A_76, %swap3A_77], %swap3A_80 {strides = array<i32>} : memref<80x128xf32, #tpu.memory_space<vmem>>, vector<1x16xf32>,
      %broadcast_in_dim3A_81 = arith.constant 0.000000e+00 : f32
      %broadcast_in_dim3A_82 = vector.broadcast %broadcast_in_dim3A_81 : f32 to vector<16xf32>
      %swap3A_83 = arith.index_cast %scan3A_61 : i32 to index
      %swap3A_84 = arith.constant 48 : index
      %swap3A_85 = tpu.vector_load %arg8[%swap3A_83, %swap3A_84] {strides = array<i32>} : memref<80x128xf32, #tpu.memory_space<vmem>>, vector<1x16xf32>,
      %swap3A_86 = vector.shape_cast %swap3A_85 : vector<1x16xf32> to vector<16xf32>
      %swap3A_87 = vector.shape_cast %broadcast_in_dim3A_82 : vector<16xf32> to vector<1x16xf32>
      tpu.vector_store %arg8[%swap3A_83, %swap3A_84], %swap3A_87 {strides = array<i32>} : memref<80x128xf32, #tpu.memory_space<vmem>>, vector<1x16xf32>,
      %broadcast_in_dim3A_88 = arith.constant 0.000000e+00 : f32
      %broadcast_in_dim3A_89 = vector.broadcast %broadcast_in_dim3A_88 : f32 to vector<16xf32>
      %swap3A_90 = arith.index_cast %scan3A_61 : i32 to index
      %swap3A_91 = arith.constant 64 : index
      %swap3A_92 = tpu.vector_load %arg8[%swap3A_90, %swap3A_91] {strides = array<i32>} : memref<80x128xf32, #tpu.memory_space<vmem>>, vector<1x16xf32>,
      %swap3A_93 = vector.shape_cast %swap3A_92 : vector<1x16xf32> to vector<16xf32>
      %swap3A_94 = vector.shape_cast %broadcast_in_dim3A_89 : vector<16xf32> to vector<1x16xf32>
      tpu.vector_store %arg8[%swap3A_90, %swap3A_91], %swap3A_94 {strides = array<i32>} : memref<80x128xf32, #tpu.memory_space<vmem>>, vector<1x16xf32>,
      %broadcast_in_dim3A_95 = arith.constant 0.000000e+00 : f32
      %broadcast_in_dim3A_96 = vector.broadcast %broadcast_in_dim3A_95 : f32 to vector<16xf32>
      %swap3A_97 = arith.index_cast %scan3A_61 : i32 to index
      %swap3A_98 = arith.constant 80 : index
      %swap3A_99 = tpu.vector_load %arg8[%swap3A_97, %swap3A_98] {strides = array<i32>} : memref<80x128xf32, #tpu.memory_space<vmem>>, vector<1x16xf32>,
      %swap3A_100 = vector.shape_cast %swap3A_99 : vector<1x16xf32> to vector<16xf32>
      %swap3A_101 = vector.shape_cast %broadcast_in_dim3A_96 : vector<16xf32> to vector<1x16xf32>
      tpu.vector_store %arg8[%swap3A_97, %swap3A_98], %swap3A_101 {strides = array<i32>} : memref<80x128xf32, #tpu.memory_space<vmem>>, vector<1x16xf32>,
      %broadcast_in_dim3A_102 = arith.constant 0.000000e+00 : f32
      %broadcast_in_dim3A_103 = vector.broadcast %broadcast_in_dim3A_102 : f32 to vector<16xf32>
      %swap3A_104 = arith.index_cast %scan3A_61 : i32 to index
      %swap3A_105 = arith.constant 96 : index
      %swap3A_106 = tpu.vector_load %arg8[%swap3A_104, %swap3A_105] {strides = array<i32>} : memref<80x128xf32, #tpu.memory_space<vmem>>, vector<1x16xf32>,
      %swap3A_107 = vector.shape_cast %swap3A_106 : vector<1x16xf32> to vector<16xf32>
      %swap3A_108 = vector.shape_cast %broadcast_in_dim3A_103 : vector<16xf32> to vector<1x16xf32>
      tpu.vector_store %arg8[%swap3A_104, %swap3A_105], %swap3A_108 {strides = array<i32>} : memref<80x128xf32, #tpu.memory_space<vmem>>, vector<1x16xf32>,
      %broadcast_in_dim3A_109 = arith.constant 0.000000e+00 : f32
      %broadcast_in_dim3A_110 = vector.broadcast %broadcast_in_dim3A_109 : f32 to vector<16xf32>
      %swap3A_111 = arith.index_cast %scan3A_61 : i32 to index
      %swap3A_112 = arith.constant 112 : index
      %swap3A_113 = tpu.vector_load %arg8[%swap3A_111, %swap3A_112] {strides = array<i32>} : memref<80x128xf32, #tpu.memory_space<vmem>>, vector<1x16xf32>,
      %swap3A_114 = vector.shape_cast %swap3A_113 : vector<1x16xf32> to vector<16xf32>
      %swap3A_115 = vector.shape_cast %broadcast_in_dim3A_110 : vector<16xf32> to vector<1x16xf32>
      tpu.vector_store %arg8[%swap3A_111, %swap3A_112], %swap3A_115 {strides = array<i32>} : memref<80x128xf32, #tpu.memory_space<vmem>>, vector<1x16xf32>,
    }
    %scan3A_9 = arith.constant 80 : i32
    %mul3A_10 = arith.constant 640 : i32
    %mul3A_11 = arith.muli %arg1, %mul3A_10 : i32
    %add3A_12 = arith.constant 0 : i32
    %add3A_13 = arith.addi %mul3A_11, %add3A_12 : i32
    "tpu.region"() ({
      %run_scoped3A = tpu.sem_alloc : memref<!tpu.dma_semaphore, #tpu.memory_space<semaphore_mem>>
      %dma_start3A_61 = arith.constant 0 : i32
      %dma_start3A_62 = tpu.memref_slice %arg10[%add3A_13, %dma_start3A_61] : memref<10240x128xf32, #tpu.memory_space<vmem_shared>> -> memref<80x128xf32, #tpu.memory_space<vmem_shared>>
      %dma_start3A_63 = arith.constant 0 : i32
      %dma_start3A_64 = tpu.memref_slice %arg10[%add3A_13, %dma_start3A_63] : memref<10240x128xf32, #tpu.memory_space<vmem_shared>> -> memref<80x128xf32, #tpu.memory_space<vmem_shared>>
      tpu.enqueue_dma source(%arg8 : memref<80x128xf32, #tpu.memory_space<vmem>>) target(%dma_start3A_64 : memref<80x128xf32, #tpu.memory_space<vmem_shared>>) target_semaphore(%run_scoped3A : memref<!tpu.dma_semaphore, #tpu.memory_space<semaphore_mem>>)
      %dma_wait3A_65 = arith.constant 0 : i32
      %dma_wait3A_66 = tpu.memref_slice %arg10[%add3A_13, %dma_wait3A_65] : memref<10240x128xf32, #tpu.memory_space<vmem_shared>> -> memref<80x128xf32, #tpu.memory_space<vmem_shared>>
      %dma_wait3A_67 = arith.constant 0 : i32
      %dma_wait3A_68 = tpu.memref_slice %arg10[%add3A_13, %dma_wait3A_67] : memref<10240x128xf32, #tpu.memory_space<vmem_shared>> -> memref<80x128xf32, #tpu.memory_space<vmem_shared>>
      tpu.wait_dma2 semaphore(%run_scoped3A : memref<!tpu.dma_semaphore, #tpu.memory_space<semaphore_mem>>) src(%arg8 : memref<80x128xf32, #tpu.memory_space<vmem>>) dst(%dma_wait3A_68 : memref<80x128xf32, #tpu.memory_space<vmem_shared>>)
      tpu.yield
    }) : () -> ()
    %mul3A_14 = arith.constant 640 : i32
    %mul3A_15 = arith.muli %arg1, %mul3A_14 : i32
    %add3A_16 = arith.constant 80 : i32
    %add3A_17 = arith.addi %mul3A_15, %add3A_16 : i32
    "tpu.region"() ({
      %run_scoped3A = tpu.sem_alloc : memref<!tpu.dma_semaphore, #tpu.memory_space<semaphore_mem>>
      %dma_start3A_61 = arith.constant 0 : i32
      %dma_start3A_62 = tpu.memref_slice %arg10[%add3A_17, %dma_start3A_61] : memref<10240x128xf32, #tpu.memory_space<vmem_shared>> -> memref<80x128xf32, #tpu.memory_space<vmem_shared>>
      %dma_start3A_63 = arith.constant 0 : i32
      %dma_start3A_64 = tpu.memref_slice %arg10[%add3A_17, %dma_start3A_63] : memref<10240x128xf32, #tpu.memory_space<vmem_shared>> -> memref<80x128xf32, #tpu.memory_space<vmem_shared>>
      tpu.enqueue_dma source(%arg8 : memref<80x128xf32, #tpu.memory_space<vmem>>) target(%dma_start3A_64 : memref<80x128xf32, #tpu.memory_space<vmem_shared>>) target_semaphore(%run_scoped3A : memref<!tpu.dma_semaphore, #tpu.memory_space<semaphore_mem>>)
      %dma_wait3A_65 = arith.constant 0 : i32
      %dma_wait3A_66 = tpu.memref_slice %arg10[%add3A_17, %dma_wait3A_65] : memref<10240x128xf32, #tpu.memory_space<vmem_shared>> -> memref<80x128xf32, #tpu.memory_space<vmem_shared>>
      %dma_wait3A_67 = arith.constant 0 : i32
      %dma_wait3A_68 = tpu.memref_slice %arg10[%add3A_17, %dma_wait3A_67] : memref<10240x128xf32, #tpu.memory_space<vmem_shared>> -> memref<80x128xf32, #tpu.memory_space<vmem_shared>>
      tpu.wait_dma2 semaphore(%run_scoped3A : memref<!tpu.dma_semaphore, #tpu.memory_space<semaphore_mem>>) src(%arg8 : memref<80x128xf32, #tpu.memory_space<vmem>>) dst(%dma_wait3A_68 : memref<80x128xf32, #tpu.memory_space<vmem_shared>>)
      tpu.yield
    }) : () -> ()
    %mul3A_18 = arith.constant 640 : i32
    %mul3A_19 = arith.muli %arg1, %mul3A_18 : i32
    %add3A_20 = arith.constant 160 : i32
    %add3A_21 = arith.addi %mul3A_19, %add3A_20 : i32
    "tpu.region"() ({
      %run_scoped3A = tpu.sem_alloc : memref<!tpu.dma_semaphore, #tpu.memory_space<semaphore_mem>>
      %dma_start3A_61 = arith.constant 0 : i32
      %dma_start3A_62 = tpu.memref_slice %arg10[%add3A_21, %dma_start3A_61] : memref<10240x128xf32, #tpu.memory_space<vmem_shared>> -> memref<80x128xf32, #tpu.memory_space<vmem_shared>>
      %dma_start3A_63 = arith.constant 0 : i32
      %dma_start3A_64 = tpu.memref_slice %arg10[%add3A_21, %dma_start3A_63] : memref<10240x128xf32, #tpu.memory_space<vmem_shared>> -> memref<80x128xf32, #tpu.memory_space<vmem_shared>>
      tpu.enqueue_dma source(%arg8 : memref<80x128xf32, #tpu.memory_space<vmem>>) target(%dma_start3A_64 : memref<80x128xf32, #tpu.memory_space<vmem_shared>>) target_semaphore(%run_scoped3A : memref<!tpu.dma_semaphore, #tpu.memory_space<semaphore_mem>>)
      %dma_wait3A_65 = arith.constant 0 : i32
      %dma_wait3A_66 = tpu.memref_slice %arg10[%add3A_21, %dma_wait3A_65] : memref<10240x128xf32, #tpu.memory_space<vmem_shared>> -> memref<80x128xf32, #tpu.memory_space<vmem_shared>>
      %dma_wait3A_67 = arith.constant 0 : i32
      %dma_wait3A_68 = tpu.memref_slice %arg10[%add3A_21, %dma_wait3A_67] : memref<10240x128xf32, #tpu.memory_space<vmem_shared>> -> memref<80x128xf32, #tpu.memory_space<vmem_shared>>
      tpu.wait_dma2 semaphore(%run_scoped3A : memref<!tpu.dma_semaphore, #tpu.memory_space<semaphore_mem>>) src(%arg8 : memref<80x128xf32, #tpu.memory_space<vmem>>) dst(%dma_wait3A_68 : memref<80x128xf32, #tpu.memory_space<vmem_shared>>)
      tpu.yield
    }) : () -> ()
    %mul3A_22 = arith.constant 640 : i32
    %mul3A_23 = arith.muli %arg1, %mul3A_22 : i32
    %add3A_24 = arith.constant 240 : i32
    %add3A_25 = arith.addi %mul3A_23, %add3A_24 : i32
    "tpu.region"() ({
      %run_scoped3A = tpu.sem_alloc : memref<!tpu.dma_semaphore, #tpu.memory_space<semaphore_mem>>
      %dma_start3A_61 = arith.constant 0 : i32
      %dma_start3A_62 = tpu.memref_slice %arg10[%add3A_25, %dma_start3A_61] : memref<10240x128xf32, #tpu.memory_space<vmem_shared>> -> memref<80x128xf32, #tpu.memory_space<vmem_shared>>
      %dma_start3A_63 = arith.constant 0 : i32
      %dma_start3A_64 = tpu.memref_slice %arg10[%add3A_25, %dma_start3A_63] : memref<10240x128xf32, #tpu.memory_space<vmem_shared>> -> memref<80x128xf32, #tpu.memory_space<vmem_shared>>
      tpu.enqueue_dma source(%arg8 : memref<80x128xf32, #tpu.memory_space<vmem>>) target(%dma_start3A_64 : memref<80x128xf32, #tpu.memory_space<vmem_shared>>) target_semaphore(%run_scoped3A : memref<!tpu.dma_semaphore, #tpu.memory_space<semaphore_mem>>)
      %dma_wait3A_65 = arith.constant 0 : i32
      %dma_wait3A_66 = tpu.memref_slice %arg10[%add3A_25, %dma_wait3A_65] : memref<10240x128xf32, #tpu.memory_space<vmem_shared>> -> memref<80x128xf32, #tpu.memory_space<vmem_shared>>
      %dma_wait3A_67 = arith.constant 0 : i32
      %dma_wait3A_68 = tpu.memref_slice %arg10[%add3A_25, %dma_wait3A_67] : memref<10240x128xf32, #tpu.memory_space<vmem_shared>> -> memref<80x128xf32, #tpu.memory_space<vmem_shared>>
      tpu.wait_dma2 semaphore(%run_scoped3A : memref<!tpu.dma_semaphore, #tpu.memory_space<semaphore_mem>>) src(%arg8 : memref<80x128xf32, #tpu.memory_space<vmem>>) dst(%dma_wait3A_68 : memref<80x128xf32, #tpu.memory_space<vmem_shared>>)
      tpu.yield
    }) : () -> ()
    %mul3A_26 = arith.constant 640 : i32
    %mul3A_27 = arith.muli %arg1, %mul3A_26 : i32
    %add3A_28 = arith.constant 320 : i32
    %add3A_29 = arith.addi %mul3A_27, %add3A_28 : i32
    "tpu.region"() ({
      %run_scoped3A = tpu.sem_alloc : memref<!tpu.dma_semaphore, #tpu.memory_space<semaphore_mem>>
      %dma_start3A_61 = arith.constant 0 : i32
      %dma_start3A_62 = tpu.memref_slice %arg10[%add3A_29, %dma_start3A_61] : memref<10240x128xf32, #tpu.memory_space<vmem_shared>> -> memref<80x128xf32, #tpu.memory_space<vmem_shared>>
      %dma_start3A_63 = arith.constant 0 : i32
      %dma_start3A_64 = tpu.memref_slice %arg10[%add3A_29, %dma_start3A_63] : memref<10240x128xf32, #tpu.memory_space<vmem_shared>> -> memref<80x128xf32, #tpu.memory_space<vmem_shared>>
      tpu.enqueue_dma source(%arg8 : memref<80x128xf32, #tpu.memory_space<vmem>>) target(%dma_start3A_64 : memref<80x128xf32, #tpu.memory_space<vmem_shared>>) target_semaphore(%run_scoped3A : memref<!tpu.dma_semaphore, #tpu.memory_space<semaphore_mem>>)
      %dma_wait3A_65 = arith.constant 0 : i32
      %dma_wait3A_66 = tpu.memref_slice %arg10[%add3A_29, %dma_wait3A_65] : memref<10240x128xf32, #tpu.memory_space<vmem_shared>> -> memref<80x128xf32, #tpu.memory_space<vmem_shared>>
      %dma_wait3A_67 = arith.constant 0 : i32
      %dma_wait3A_68 = tpu.memref_slice %arg10[%add3A_29, %dma_wait3A_67] : memref<10240x128xf32, #tpu.memory_space<vmem_shared>> -> memref<80x128xf32, #tpu.memory_space<vmem_shared>>
      tpu.wait_dma2 semaphore(%run_scoped3A : memref<!tpu.dma_semaphore, #tpu.memory_space<semaphore_mem>>) src(%arg8 : memref<80x128xf32, #tpu.memory_space<vmem>>) dst(%dma_wait3A_68 : memref<80x128xf32, #tpu.memory_space<vmem_shared>>)
      tpu.yield
    }) : () -> ()
    %mul3A_30 = arith.constant 640 : i32
    %mul3A_31 = arith.muli %arg1, %mul3A_30 : i32
    %add3A_32 = arith.constant 400 : i32
    %add3A_33 = arith.addi %mul3A_31, %add3A_32 : i32
    "tpu.region"() ({
      %run_scoped3A = tpu.sem_alloc : memref<!tpu.dma_semaphore, #tpu.memory_space<semaphore_mem>>
      %dma_start3A_61 = arith.constant 0 : i32
      %dma_start3A_62 = tpu.memref_slice %arg10[%add3A_33, %dma_start3A_61] : memref<10240x128xf32, #tpu.memory_space<vmem_shared>> -> memref<80x128xf32, #tpu.memory_space<vmem_shared>>
      %dma_start3A_63 = arith.constant 0 : i32
      %dma_start3A_64 = tpu.memref_slice %arg10[%add3A_33, %dma_start3A_63] : memref<10240x128xf32, #tpu.memory_space<vmem_shared>> -> memref<80x128xf32, #tpu.memory_space<vmem_shared>>
      tpu.enqueue_dma source(%arg8 : memref<80x128xf32, #tpu.memory_space<vmem>>) target(%dma_start3A_64 : memref<80x128xf32, #tpu.memory_space<vmem_shared>>) target_semaphore(%run_scoped3A : memref<!tpu.dma_semaphore, #tpu.memory_space<semaphore_mem>>)
      %dma_wait3A_65 = arith.constant 0 : i32
      %dma_wait3A_66 = tpu.memref_slice %arg10[%add3A_33, %dma_wait3A_65] : memref<10240x128xf32, #tpu.memory_space<vmem_shared>> -> memref<80x128xf32, #tpu.memory_space<vmem_shared>>
      %dma_wait3A_67 = arith.constant 0 : i32
      %dma_wait3A_68 = tpu.memref_slice %arg10[%add3A_33, %dma_wait3A_67] : memref<10240x128xf32, #tpu.memory_space<vmem_shared>> -> memref<80x128xf32, #tpu.memory_space<vmem_shared>>
      tpu.wait_dma2 semaphore(%run_scoped3A : memref<!tpu.dma_semaphore, #tpu.memory_space<semaphore_mem>>) src(%arg8 : memref<80x128xf32, #tpu.memory_space<vmem>>) dst(%dma_wait3A_68 : memref<80x128xf32, #tpu.memory_space<vmem_shared>>)
      tpu.yield
    }) : () -> ()
    %mul3A_34 = arith.constant 640 : i32
    %mul3A_35 = arith.muli %arg1, %mul3A_34 : i32
    %add3A_36 = arith.constant 480 : i32
    %add3A_37 = arith.addi %mul3A_35, %add3A_36 : i32
    "tpu.region"() ({
      %run_scoped3A = tpu.sem_alloc : memref<!tpu.dma_semaphore, #tpu.memory_space<semaphore_mem>>
      %dma_start3A_61 = arith.constant 0 : i32
      %dma_start3A_62 = tpu.memref_slice %arg10[%add3A_37, %dma_start3A_61] : memref<10240x128xf32, #tpu.memory_space<vmem_shared>> -> memref<80x128xf32, #tpu.memory_space<vmem_shared>>
      %dma_start3A_63 = arith.constant 0 : i32
      %dma_start3A_64 = tpu.memref_slice %arg10[%add3A_37, %dma_start3A_63] : memref<10240x128xf32, #tpu.memory_space<vmem_shared>> -> memref<80x128xf32, #tpu.memory_space<vmem_shared>>
      tpu.enqueue_dma source(%arg8 : memref<80x128xf32, #tpu.memory_space<vmem>>) target(%dma_start3A_64 : memref<80x128xf32, #tpu.memory_space<vmem_shared>>) target_semaphore(%run_scoped3A : memref<!tpu.dma_semaphore, #tpu.memory_space<semaphore_mem>>)
      %dma_wait3A_65 = arith.constant 0 : i32
      %dma_wait3A_66 = tpu.memref_slice %arg10[%add3A_37, %dma_wait3A_65] : memref<10240x128xf32, #tpu.memory_space<vmem_shared>> -> memref<80x128xf32, #tpu.memory_space<vmem_shared>>
      %dma_wait3A_67 = arith.constant 0 : i32
      %dma_wait3A_68 = tpu.memref_slice %arg10[%add3A_37, %dma_wait3A_67] : memref<10240x128xf32, #tpu.memory_space<vmem_shared>> -> memref<80x128xf32, #tpu.memory_space<vmem_shared>>
      tpu.wait_dma2 semaphore(%run_scoped3A : memref<!tpu.dma_semaphore, #tpu.memory_space<semaphore_mem>>) src(%arg8 : memref<80x128xf32, #tpu.memory_space<vmem>>) dst(%dma_wait3A_68 : memref<80x128xf32, #tpu.memory_space<vmem_shared>>)
      tpu.yield
    }) : () -> ()
    %mul3A_38 = arith.constant 640 : i32
    %mul3A_39 = arith.muli %arg1, %mul3A_38 : i32
    %add3A_40 = arith.constant 560 : i32
    %add3A_41 = arith.addi %mul3A_39, %add3A_40 : i32
    "tpu.region"() ({
      %run_scoped3A = tpu.sem_alloc : memref<!tpu.dma_semaphore, #tpu.memory_space<semaphore_mem>>
      %dma_start3A_61 = arith.constant 0 : i32
      %dma_start3A_62 = tpu.memref_slice %arg10[%add3A_41, %dma_start3A_61] : memref<10240x128xf32, #tpu.memory_space<vmem_shared>> -> memref<80x128xf32, #tpu.memory_space<vmem_shared>>
      %dma_start3A_63 = arith.constant 0 : i32
      %dma_start3A_64 = tpu.memref_slice %arg10[%add3A_41, %dma_start3A_63] : memref<10240x128xf32, #tpu.memory_space<vmem_shared>> -> memref<80x128xf32, #tpu.memory_space<vmem_shared>>
      tpu.enqueue_dma source(%arg8 : memref<80x128xf32, #tpu.memory_space<vmem>>) target(%dma_start3A_64 : memref<80x128xf32, #tpu.memory_space<vmem_shared>>) target_semaphore(%run_scoped3A : memref<!tpu.dma_semaphore, #tpu.memory_space<semaphore_mem>>)
      %dma_wait3A_65 = arith.constant 0 : i32
      %dma_wait3A_66 = tpu.memref_slice %arg10[%add3A_41, %dma_wait3A_65] : memref<10240x128xf32, #tpu.memory_space<vmem_shared>> -> memref<80x128xf32, #tpu.memory_space<vmem_shared>>
      %dma_wait3A_67 = arith.constant 0 : i32
      %dma_wait3A_68 = tpu.memref_slice %arg10[%add3A_41, %dma_wait3A_67] : memref<10240x128xf32, #tpu.memory_space<vmem_shared>> -> memref<80x128xf32, #tpu.memory_space<vmem_shared>>
      tpu.wait_dma2 semaphore(%run_scoped3A : memref<!tpu.dma_semaphore, #tpu.memory_space<semaphore_mem>>) src(%arg8 : memref<80x128xf32, #tpu.memory_space<vmem>>) dst(%dma_wait3A_68 : memref<80x128xf32, #tpu.memory_space<vmem_shared>>)
      tpu.yield
    }) : () -> ()
    %barrier3A = arith.constant 0 : index
    tpu.barrier barrier_id(%barrier3A)
    %dma_start3A = arith.constant 0 : i32
    %dma_start3A_42 = tpu.memref_slice %arg6[%dma_start3A] : memref<10000xi32, #tpu.memory_space<vmem>> -> memref<80xi32, #tpu.memory_space<vmem>>
    %dma_start3A_43 = arith.constant 0 : i32
    %dma_start3A_44 = arith.constant 0 : i32
    %dma_start3A_45 = tpu.memref_slice %arg4[%dma_start3A_43, %dma_start3A_44] : memref<10000x128xf32, #tpu.memory_space<hbm>> -> memref<10000x128xf32, #tpu.memory_space<hbm>>
    tpu.enqueue_indirect_dma source(%dma_start3A_45 : memref<10000x128xf32, #tpu.memory_space<hbm>>) target(%arg8 : memref<80x128xf32, #tpu.memory_space<vmem>>) offsets(%dma_start3A_42 : memref<80xi32, #tpu.memory_space<vmem>>) semaphore(%arg11 : memref<!tpu.dma_semaphore, #tpu.memory_space<semaphore_mem>>)
    %scan3A_46 = arith.constant 0 : i32
    %scan3A_47 = arith.constant 0 : i32
    %scan3A_48 = arith.constant 62 : i32
    %scan3A_49 = arith.addi %scan3A_47, %scan3A_48 : i32
    %scan3A_50 = arith.constant 1 : i32
    scf.for %scan3A_61 = %scan3A_47 to %scan3A_49 step %scan3A_50  : i32 {
      %mul3A_62 = arith.constant 2 : i32
      %mul3A_63 = arith.muli %mul3A_62, %scan3A_61 : i32
      %add3A_64 = arith.constant 1 : i32
      %add3A_65 = arith.addi %mul3A_63, %add3A_64 : i32
      %mul3A_66 = arith.constant 80 : i32
      %mul3A_67 = arith.muli %add3A_65, %mul3A_66 : i32
      %dma_start3A_68 = tpu.memref_slice %arg6[%mul3A_67] : memref<10000xi32, #tpu.memory_space<vmem>> -> memref<80xi32, #tpu.memory_space<vmem>>
      %dma_start3A_69 = arith.constant 0 : i32
      %dma_start3A_70 = arith.constant 0 : i32
      %dma_start3A_71 = tpu.memref_slice %arg4[%dma_start3A_69, %dma_start3A_70] : memref<10000x128xf32, #tpu.memory_space<hbm>> -> memref<10000x128xf32, #tpu.memory_space<hbm>>
      tpu.enqueue_indirect_dma source(%dma_start3A_71 : memref<10000x128xf32, #tpu.memory_space<hbm>>) target(%arg9 : memref<80x128xf32, #tpu.memory_space<vmem>>) offsets(%dma_start3A_68 : memref<80xi32, #tpu.memory_space<vmem>>) semaphore(%arg12 : memref<!tpu.dma_semaphore, #tpu.memory_space<semaphore_mem>>)
      %mul3A_72 = arith.constant 80 : i32
      %mul3A_73 = arith.muli %mul3A_63, %mul3A_72 : i32
      %dma_wait3A_74 = tpu.memref_slice %arg6[%mul3A_73] : memref<10000xi32, #tpu.memory_space<vmem>> -> memref<80xi32, #tpu.memory_space<vmem>>
      %dma_wait3A_75 = arith.constant 0 : i32
      %dma_wait3A_76 = arith.constant 0 : i32
      %dma_wait3A_77 = tpu.memref_slice %arg4[%dma_wait3A_75, %dma_wait3A_76] : memref<10000x128xf32, #tpu.memory_space<hbm>> -> memref<10000x128xf32, #tpu.memory_space<hbm>>
      tpu.wait_indirect_dma semaphore(%arg11 : memref<!tpu.dma_semaphore, #tpu.memory_space<semaphore_mem>>) src(%dma_wait3A_77 : memref<10000x128xf32, #tpu.memory_space<hbm>>) dst(%arg8 : memref<80x128xf32, #tpu.memory_space<vmem>>)
      %mul3A_78 = arith.constant 80 : i32
      %mul3A_79 = arith.muli %mul3A_63, %mul3A_78 : i32
      "tpu.region"() ({
        %run_scoped3A = tpu.sem_alloc : memref<!tpu.dma_semaphore, #tpu.memory_space<semaphore_mem>>
        %dma_start3A_100 = tpu.memref_slice %arg7[%mul3A_79] : memref<10000xi32, #tpu.memory_space<vmem>> -> memref<80xi32, #tpu.memory_space<vmem>>
        %dma_start3A_101 = arith.constant 0 : i32
        %dma_start3A_102 = arith.constant 0 : i32
        %dma_start3A_103 = tpu.memref_slice %arg10[%dma_start3A_101, %dma_start3A_102] : memref<10240x128xf32, #tpu.memory_space<vmem_shared>> -> memref<10240x128xf32, #tpu.memory_space<vmem_shared>>
        tpu.enqueue_indirect_dma source(%arg8 : memref<80x128xf32, #tpu.memory_space<vmem>>) target(%dma_start3A_103 : memref<10240x128xf32, #tpu.memory_space<vmem_shared>>) offsets(%dma_start3A_100 : memref<80xi32, #tpu.memory_space<vmem>>) semaphore(%run_scoped3A : memref<!tpu.dma_semaphore, #tpu.memory_space<semaphore_mem>>) {add = true}
        %dma_wait3A_104 = tpu.memref_slice %arg7[%mul3A_79] : memref<10000xi32, #tpu.memory_space<vmem>> -> memref<80xi32, #tpu.memory_space<vmem>>
        %dma_wait3A_105 = arith.constant 0 : i32
        %dma_wait3A_106 = arith.constant 0 : i32
        %dma_wait3A_107 = tpu.memref_slice %arg10[%dma_wait3A_105, %dma_wait3A_106] : memref<10240x128xf32, #tpu.memory_space<vmem_shared>> -> memref<10240x128xf32, #tpu.memory_space<vmem_shared>>
        tpu.wait_indirect_dma semaphore(%run_scoped3A : memref<!tpu.dma_semaphore, #tpu.memory_space<semaphore_mem>>) src(%arg8 : memref<80x128xf32, #tpu.memory_space<vmem>>) dst(%dma_wait3A_107 : memref<10240x128xf32, #tpu.memory_space<vmem_shared>>)
        tpu.yield
      }) : () -> ()
      %add3A_80 = arith.constant 2 : i32
      %add3A_81 = arith.addi %mul3A_63, %add3A_80 : i32
      %mul3A_82 = arith.constant 80 : i32
      %mul3A_83 = arith.muli %add3A_81, %mul3A_82 : i32
      %dma_start3A_84 = tpu.memref_slice %arg6[%mul3A_83] : memref<10000xi32, #tpu.memory_space<vmem>> -> memref<80xi32, #tpu.memory_space<vmem>>
      %dma_start3A_85 = arith.constant 0 : i32
      %dma_start3A_86 = arith.constant 0 : i32
      %dma_start3A_87 = tpu.memref_slice %arg4[%dma_start3A_85, %dma_start3A_86] : memref<10000x128xf32, #tpu.memory_space<hbm>> -> memref<10000x128xf32, #tpu.memory_space<hbm>>
      tpu.enqueue_indirect_dma source(%dma_start3A_87 : memref<10000x128xf32, #tpu.memory_space<hbm>>) target(%arg8 : memref<80x128xf32, #tpu.memory_space<vmem>>) offsets(%dma_start3A_84 : memref<80xi32, #tpu.memory_space<vmem>>) semaphore(%arg11 : memref<!tpu.dma_semaphore, #tpu.memory_space<semaphore_mem>>)
      %add3A_88 = arith.constant 1 : i32
      %add3A_89 = arith.addi %mul3A_63, %add3A_88 : i32
      %mul3A_90 = arith.constant 80 : i32
      %mul3A_91 = arith.muli %add3A_89, %mul3A_90 : i32
      %dma_wait3A_92 = tpu.memref_slice %arg6[%mul3A_91] : memref<10000xi32, #tpu.memory_space<vmem>> -> memref<80xi32, #tpu.memory_space<vmem>>
      %dma_wait3A_93 = arith.constant 0 : i32
      %dma_wait3A_94 = arith.constant 0 : i32
      %dma_wait3A_95 = tpu.memref_slice %arg4[%dma_wait3A_93, %dma_wait3A_94] : memref<10000x128xf32, #tpu.memory_space<hbm>> -> memref<10000x128xf32, #tpu.memory_space<hbm>>
      tpu.wait_indirect_dma semaphore(%arg12 : memref<!tpu.dma_semaphore, #tpu.memory_space<semaphore_mem>>) src(%dma_wait3A_95 : memref<10000x128xf32, #tpu.memory_space<hbm>>) dst(%arg9 : memref<80x128xf32, #tpu.memory_space<vmem>>)
      %add3A_96 = arith.constant 1 : i32
      %add3A_97 = arith.addi %mul3A_63, %add3A_96 : i32
      %mul3A_98 = arith.constant 80 : i32
      %mul3A_99 = arith.muli %add3A_97, %mul3A_98 : i32
      "tpu.region"() ({
        %run_scoped3A = tpu.sem_alloc : memref<!tpu.dma_semaphore, #tpu.memory_space<semaphore_mem>>
        %dma_start3A_100 = tpu.memref_slice %arg7[%mul3A_99] : memref<10000xi32, #tpu.memory_space<vmem>> -> memref<80xi32, #tpu.memory_space<vmem>>
        %dma_start3A_101 = arith.constant 0 : i32
        %dma_start3A_102 = arith.constant 0 : i32
        %dma_start3A_103 = tpu.memref_slice %arg10[%dma_start3A_101, %dma_start3A_102] : memref<10240x128xf32, #tpu.memory_space<vmem_shared>> -> memref<10240x128xf32, #tpu.memory_space<vmem_shared>>
        tpu.enqueue_indirect_dma source(%arg9 : memref<80x128xf32, #tpu.memory_space<vmem>>) target(%dma_start3A_103 : memref<10240x128xf32, #tpu.memory_space<vmem_shared>>) offsets(%dma_start3A_100 : memref<80xi32, #tpu.memory_space<vmem>>) semaphore(%run_scoped3A : memref<!tpu.dma_semaphore, #tpu.memory_space<semaphore_mem>>) {add = true}
        %dma_wait3A_104 = tpu.memref_slice %arg7[%mul3A_99] : memref<10000xi32, #tpu.memory_space<vmem>> -> memref<80xi32, #tpu.memory_space<vmem>>
        %dma_wait3A_105 = arith.constant 0 : i32
        %dma_wait3A_106 = arith.constant 0 : i32
        %dma_wait3A_107 = tpu.memref_slice %arg10[%dma_wait3A_105, %dma_wait3A_106] : memref<10240x128xf32, #tpu.memory_space<vmem_shared>> -> memref<10240x128xf32, #tpu.memory_space<vmem_shared>>
        tpu.wait_indirect_dma semaphore(%run_scoped3A : memref<!tpu.dma_semaphore, #tpu.memory_space<semaphore_mem>>) src(%arg9 : memref<80x128xf32, #tpu.memory_space<vmem>>) dst(%dma_wait3A_107 : memref<10240x128xf32, #tpu.memory_space<vmem_shared>>)
        tpu.yield
      }) : () -> ()
    }
    %scan3A_51 = arith.constant 62 : i32
    %dma_wait3A = arith.constant 9920 : i32
    %dma_wait3A_52 = tpu.memref_slice %arg6[%dma_wait3A] : memref<10000xi32, #tpu.memory_space<vmem>> -> memref<80xi32, #tpu.memory_space<vmem>>
    %dma_wait3A_53 = arith.constant 0 : i32
    %dma_wait3A_54 = arith.constant 0 : i32
    %dma_wait3A_55 = tpu.memref_slice %arg4[%dma_wait3A_53, %dma_wait3A_54] : memref<10000x128xf32, #tpu.memory_space<hbm>> -> memref<10000x128xf32, #tpu.memory_space<hbm>>
    tpu.wait_indirect_dma semaphore(%arg11 : memref<!tpu.dma_semaphore, #tpu.memory_space<semaphore_mem>>) src(%dma_wait3A_55 : memref<10000x128xf32, #tpu.memory_space<hbm>>) dst(%arg8 : memref<80x128xf32, #tpu.memory_space<vmem>>)
    "tpu.region"() ({
      %run_scoped3A = tpu.sem_alloc : memref<!tpu.dma_semaphore, #tpu.memory_space<semaphore_mem>>
      %dma_start3A_61 = arith.constant 9920 : i32
      %dma_start3A_62 = tpu.memref_slice %arg7[%dma_start3A_61] : memref<10000xi32, #tpu.memory_space<vmem>> -> memref<80xi32, #tpu.memory_space<vmem>>
      %dma_start3A_63 = arith.constant 0 : i32
      %dma_start3A_64 = arith.constant 0 : i32
      %dma_start3A_65 = tpu.memref_slice %arg10[%dma_start3A_63, %dma_start3A_64] : memref<10240x128xf32, #tpu.memory_space<vmem_shared>> -> memref<10240x128xf32, #tpu.memory_space<vmem_shared>>
      tpu.enqueue_indirect_dma source(%arg8 : memref<80x128xf32, #tpu.memory_space<vmem>>) target(%dma_start3A_65 : memref<10240x128xf32, #tpu.memory_space<vmem_shared>>) offsets(%dma_start3A_62 : memref<80xi32, #tpu.memory_space<vmem>>) semaphore(%run_scoped3A : memref<!tpu.dma_semaphore, #tpu.memory_space<semaphore_mem>>) {add = true}
      %dma_wait3A_66 = arith.constant 9920 : i32
      %dma_wait3A_67 = tpu.memref_slice %arg7[%dma_wait3A_66] : memref<10000xi32, #tpu.memory_space<vmem>> -> memref<80xi32, #tpu.memory_space<vmem>>
      %dma_wait3A_68 = arith.constant 0 : i32
      %dma_wait3A_69 = arith.constant 0 : i32
      %dma_wait3A_70 = tpu.memref_slice %arg10[%dma_wait3A_68, %dma_wait3A_69] : memref<10240x128xf32, #tpu.memory_space<vmem_shared>> -> memref<10240x128xf32, #tpu.memory_space<vmem_shared>>
      tpu.wait_indirect_dma semaphore(%run_scoped3A : memref<!tpu.dma_semaphore, #tpu.memory_space<semaphore_mem>>) src(%arg8 : memref<80x128xf32, #tpu.memory_space<vmem>>) dst(%dma_wait3A_70 : memref<10240x128xf32, #tpu.memory_space<vmem_shared>>)
      tpu.yield
    }) : () -> ()
    %barrier3A_56 = arith.constant 0 : index
    tpu.barrier barrier_id(%barrier3A_56)
    %mul3A_57 = arith.constant 640 : i32
    %mul3A_58 = arith.muli %arg1, %mul3A_57 : i32
    %mul3A_59 = arith.constant 640 : i32
    %mul3A_60 = arith.muli %arg1, %mul3A_59 : i32
    "tpu.region"() ({
      %run_scoped3A = tpu.sem_alloc : memref<!tpu.dma_semaphore, #tpu.memory_space<semaphore_mem>>
      %dma_start3A_61 = arith.constant 0 : i32
      %dma_start3A_62 = tpu.memref_slice %arg5[%arg0, %mul3A_60, %dma_start3A_61] : memref<2x10240x128xf32, #tpu.memory_space<hbm>> -> memref<1x640x128xf32, #tpu.memory_space<hbm>>
      %dma_start3A_63 = tpu.memref_squeeze %dma_start3A_62 : memref<1x640x128xf32, #tpu.memory_space<hbm>> -> memref<640x128xf32, #tpu.memory_space<hbm>>
      %dma_start3A_64 = arith.constant 0 : i32
      %dma_start3A_65 = tpu.memref_slice %arg10[%mul3A_58, %dma_start3A_64] : memref<10240x128xf32, #tpu.memory_space<vmem_shared>> -> memref<640x128xf32, #tpu.memory_space<vmem_shared>>
      tpu.enqueue_dma source(%dma_start3A_65 : memref<640x128xf32, #tpu.memory_space<vmem_shared>>) target(%dma_start3A_63 : memref<640x128xf32, #tpu.memory_space<hbm>>) target_semaphore(%run_scoped3A : memref<!tpu.dma_semaphore, #tpu.memory_space<semaphore_mem>>)
      %dma_wait3A_66 = arith.constant 0 : i32
      %dma_wait3A_67 = tpu.memref_slice %arg5[%arg0, %mul3A_60, %dma_wait3A_66] : memref<2x10240x128xf32, #tpu.memory_space<hbm>> -> memref<1x640x128xf32, #tpu.memory_space<hbm>>
      %dma_wait3A_68 = tpu.memref_squeeze %dma_wait3A_67 : memref<1x640x128xf32, #tpu.memory_space<hbm>> -> memref<640x128xf32, #tpu.memory_space<hbm>>
      %dma_wait3A_69 = arith.constant 0 : i32
      %dma_wait3A_70 = tpu.memref_slice %arg10[%mul3A_58, %dma_wait3A_69] : memref<10240x128xf32, #tpu.memory_space<vmem_shared>> -> memref<640x128xf32, #tpu.memory_space<vmem_shared>>
      tpu.wait_dma2 semaphore(%run_scoped3A : memref<!tpu.dma_semaphore, #tpu.memory_space<semaphore_mem>>) src(%dma_wait3A_70 : memref<640x128xf32, #tpu.memory_space<vmem_shared>>) dst(%dma_wait3A_68 : memref<640x128xf32, #tpu.memory_space<hbm>>)
      tpu.yield
    }) : () -> ()
    return
  }
}

#map = affine_map<(d0, d1) -> (0)>
#map1 = affine_map<(d0, d1) -> (0, 0)>
module attributes {stable_mosaic.version = 14 : i64} {
  func.func @_deg_body(%arg0: i32, %arg1: i32, %arg2: memref<320000xi32, #tpu.memory_space<hbm>>, %arg3: memref<2x10240xf32, #tpu.memory_space<hbm>>, %arg4: memref<10000xi32, #tpu.memory_space<vmem>>, %arg5: memref<80xf32, #tpu.memory_space<vmem>>, %arg6: memref<80xf32, #tpu.memory_space<vmem>>, %arg7: memref<10240xf32, #tpu.memory_space<vmem_shared>>) attributes {dimension_semantics = [#tpu.dimension_semantics<core_parallel>, #tpu.dimension_semantics<subcore_parallel>], iteration_bounds = array<i64: 2, 16>, scalar_prefetch = 0 : i64, scratch_operands = 4 : i64, tpu.core_type = #tpu.core_type<sc_vector_subcore>, window_params = [{transform_indices = #map}, {transform_indices = #map1}]} {
    %mul3A = arith.constant 2 : i32
    %mul3A_0 = arith.muli %arg1, %mul3A : i32
    %add3A = arith.addi %mul3A_0, %arg0 : i32
    %mul3A_1 = arith.constant 10000 : i32
    %mul3A_2 = arith.muli %add3A, %mul3A_1 : i32
    "tpu.region"() ({
      %run_scoped3A = tpu.sem_alloc : memref<!tpu.dma_semaphore, #tpu.memory_space<semaphore_mem>>
      %dma_start3A = tpu.memref_slice %arg2[%mul3A_2] : memref<320000xi32, #tpu.memory_space<hbm>> -> memref<10000xi32, #tpu.memory_space<hbm>>
      %dma_start3A_103 = tpu.memref_slice %arg2[%mul3A_2] : memref<320000xi32, #tpu.memory_space<hbm>> -> memref<10000xi32, #tpu.memory_space<hbm>>
      tpu.enqueue_dma source(%dma_start3A_103 : memref<10000xi32, #tpu.memory_space<hbm>>) target(%arg4 : memref<10000xi32, #tpu.memory_space<vmem>>) target_semaphore(%run_scoped3A : memref<!tpu.dma_semaphore, #tpu.memory_space<semaphore_mem>>)
      %dma_wait3A = tpu.memref_slice %arg2[%mul3A_2] : memref<320000xi32, #tpu.memory_space<hbm>> -> memref<10000xi32, #tpu.memory_space<hbm>>
      %dma_wait3A_104 = tpu.memref_slice %arg2[%mul3A_2] : memref<320000xi32, #tpu.memory_space<hbm>> -> memref<10000xi32, #tpu.memory_space<hbm>>
      tpu.wait_dma2 semaphore(%run_scoped3A : memref<!tpu.dma_semaphore, #tpu.memory_space<semaphore_mem>>) src(%dma_wait3A_104 : memref<10000xi32, #tpu.memory_space<hbm>>) dst(%arg4 : memref<10000xi32, #tpu.memory_space<vmem>>)
      tpu.yield
    }) : () -> ()
    %broadcast_in_dim3A = arith.constant 1.000000e+00 : f32
    %broadcast_in_dim3A_3 = vector.broadcast %broadcast_in_dim3A : f32 to vector<16xf32>
    %swap3A = arith.constant 0 : index
    %swap3A_4 = tpu.vector_load %arg5[%swap3A] {strides = array<i32>} : memref<80xf32, #tpu.memory_space<vmem>>, vector<16xf32>,
    %swap3A_5 = vector.shape_cast %swap3A_4 : vector<16xf32> to vector<16xf32>
    %swap3A_6 = vector.shape_cast %broadcast_in_dim3A_3 : vector<16xf32> to vector<16xf32>
    tpu.vector_store %arg5[%swap3A], %swap3A_6 {strides = array<i32>} : memref<80xf32, #tpu.memory_space<vmem>>, vector<16xf32>,
    %broadcast_in_dim3A_7 = arith.constant 0.000000e+00 : f32
    %broadcast_in_dim3A_8 = vector.broadcast %broadcast_in_dim3A_7 : f32 to vector<16xf32>
    %swap3A_9 = arith.constant 0 : index
    %swap3A_10 = tpu.vector_load %arg6[%swap3A_9] {strides = array<i32>} : memref<80xf32, #tpu.memory_space<vmem>>, vector<16xf32>,
    %swap3A_11 = vector.shape_cast %swap3A_10 : vector<16xf32> to vector<16xf32>
    %swap3A_12 = vector.shape_cast %broadcast_in_dim3A_8 : vector<16xf32> to vector<16xf32>
    tpu.vector_store %arg6[%swap3A_9], %swap3A_12 {strides = array<i32>} : memref<80xf32, #tpu.memory_space<vmem>>, vector<16xf32>,
    %broadcast_in_dim3A_13 = arith.constant 1.000000e+00 : f32
    %broadcast_in_dim3A_14 = vector.broadcast %broadcast_in_dim3A_13 : f32 to vector<16xf32>
    %swap3A_15 = arith.constant 16 : index
    %swap3A_16 = tpu.vector_load %arg5[%swap3A_15] {strides = array<i32>} : memref<80xf32, #tpu.memory_space<vmem>>, vector<16xf32>,
    %swap3A_17 = vector.shape_cast %swap3A_16 : vector<16xf32> to vector<16xf32>
    %swap3A_18 = vector.shape_cast %broadcast_in_dim3A_14 : vector<16xf32> to vector<16xf32>
    tpu.vector_store %arg5[%swap3A_15], %swap3A_18 {strides = array<i32>} : memref<80xf32, #tpu.memory_space<vmem>>, vector<16xf32>,
    %broadcast_in_dim3A_19 = arith.constant 0.000000e+00 : f32
    %broadcast_in_dim3A_20 = vector.broadcast %broadcast_in_dim3A_19 : f32 to vector<16xf32>
    %swap3A_21 = arith.constant 16 : index
    %swap3A_22 = tpu.vector_load %arg6[%swap3A_21] {strides = array<i32>} : memref<80xf32, #tpu.memory_space<vmem>>, vector<16xf32>,
    %swap3A_23 = vector.shape_cast %swap3A_22 : vector<16xf32> to vector<16xf32>
    %swap3A_24 = vector.shape_cast %broadcast_in_dim3A_20 : vector<16xf32> to vector<16xf32>
    tpu.vector_store %arg6[%swap3A_21], %swap3A_24 {strides = array<i32>} : memref<80xf32, #tpu.memory_space<vmem>>, vector<16xf32>,
    %broadcast_in_dim3A_25 = arith.constant 1.000000e+00 : f32
    %broadcast_in_dim3A_26 = vector.broadcast %broadcast_in_dim3A_25 : f32 to vector<16xf32>
    %swap3A_27 = arith.constant 32 : index
    %swap3A_28 = tpu.vector_load %arg5[%swap3A_27] {strides = array<i32>} : memref<80xf32, #tpu.memory_space<vmem>>, vector<16xf32>,
    %swap3A_29 = vector.shape_cast %swap3A_28 : vector<16xf32> to vector<16xf32>
    %swap3A_30 = vector.shape_cast %broadcast_in_dim3A_26 : vector<16xf32> to vector<16xf32>
    tpu.vector_store %arg5[%swap3A_27], %swap3A_30 {strides = array<i32>} : memref<80xf32, #tpu.memory_space<vmem>>, vector<16xf32>,
    %broadcast_in_dim3A_31 = arith.constant 0.000000e+00 : f32
    %broadcast_in_dim3A_32 = vector.broadcast %broadcast_in_dim3A_31 : f32 to vector<16xf32>
    %swap3A_33 = arith.constant 32 : index
    %swap3A_34 = tpu.vector_load %arg6[%swap3A_33] {strides = array<i32>} : memref<80xf32, #tpu.memory_space<vmem>>, vector<16xf32>,
    %swap3A_35 = vector.shape_cast %swap3A_34 : vector<16xf32> to vector<16xf32>
    %swap3A_36 = vector.shape_cast %broadcast_in_dim3A_32 : vector<16xf32> to vector<16xf32>
    tpu.vector_store %arg6[%swap3A_33], %swap3A_36 {strides = array<i32>} : memref<80xf32, #tpu.memory_space<vmem>>, vector<16xf32>,
    %broadcast_in_dim3A_37 = arith.constant 1.000000e+00 : f32
    %broadcast_in_dim3A_38 = vector.broadcast %broadcast_in_dim3A_37 : f32 to vector<16xf32>
    %swap3A_39 = arith.constant 48 : index
    %swap3A_40 = tpu.vector_load %arg5[%swap3A_39] {strides = array<i32>} : memref<80xf32, #tpu.memory_space<vmem>>, vector<16xf32>,
    %swap3A_41 = vector.shape_cast %swap3A_40 : vector<16xf32> to vector<16xf32>
    %swap3A_42 = vector.shape_cast %broadcast_in_dim3A_38 : vector<16xf32> to vector<16xf32>
    tpu.vector_store %arg5[%swap3A_39], %swap3A_42 {strides = array<i32>} : memref<80xf32, #tpu.memory_space<vmem>>, vector<16xf32>,
    %broadcast_in_dim3A_43 = arith.constant 0.000000e+00 : f32
    %broadcast_in_dim3A_44 = vector.broadcast %broadcast_in_dim3A_43 : f32 to vector<16xf32>
    %swap3A_45 = arith.constant 48 : index
    %swap3A_46 = tpu.vector_load %arg6[%swap3A_45] {strides = array<i32>} : memref<80xf32, #tpu.memory_space<vmem>>, vector<16xf32>,
    %swap3A_47 = vector.shape_cast %swap3A_46 : vector<16xf32> to vector<16xf32>
    %swap3A_48 = vector.shape_cast %broadcast_in_dim3A_44 : vector<16xf32> to vector<16xf32>
    tpu.vector_store %arg6[%swap3A_45], %swap3A_48 {strides = array<i32>} : memref<80xf32, #tpu.memory_space<vmem>>, vector<16xf32>,
    %broadcast_in_dim3A_49 = arith.constant 1.000000e+00 : f32
    %broadcast_in_dim3A_50 = vector.broadcast %broadcast_in_dim3A_49 : f32 to vector<16xf32>
    %swap3A_51 = arith.constant 64 : index
    %swap3A_52 = tpu.vector_load %arg5[%swap3A_51] {strides = array<i32>} : memref<80xf32, #tpu.memory_space<vmem>>, vector<16xf32>,
    %swap3A_53 = vector.shape_cast %swap3A_52 : vector<16xf32> to vector<16xf32>
    %swap3A_54 = vector.shape_cast %broadcast_in_dim3A_50 : vector<16xf32> to vector<16xf32>
    tpu.vector_store %arg5[%swap3A_51], %swap3A_54 {strides = array<i32>} : memref<80xf32, #tpu.memory_space<vmem>>, vector<16xf32>,
    %broadcast_in_dim3A_55 = arith.constant 0.000000e+00 : f32
    %broadcast_in_dim3A_56 = vector.broadcast %broadcast_in_dim3A_55 : f32 to vector<16xf32>
    %swap3A_57 = arith.constant 64 : index
    %swap3A_58 = tpu.vector_load %arg6[%swap3A_57] {strides = array<i32>} : memref<80xf32, #tpu.memory_space<vmem>>, vector<16xf32>,
    %swap3A_59 = vector.shape_cast %swap3A_58 : vector<16xf32> to vector<16xf32>
    %swap3A_60 = vector.shape_cast %broadcast_in_dim3A_56 : vector<16xf32> to vector<16xf32>
    tpu.vector_store %arg6[%swap3A_57], %swap3A_60 {strides = array<i32>} : memref<80xf32, #tpu.memory_space<vmem>>, vector<16xf32>,
    %mul3A_61 = arith.constant 640 : i32
    %mul3A_62 = arith.muli %arg1, %mul3A_61 : i32
    %add3A_63 = arith.constant 0 : i32
    %add3A_64 = arith.addi %mul3A_62, %add3A_63 : i32
    "tpu.region"() ({
      %run_scoped3A = tpu.sem_alloc : memref<!tpu.dma_semaphore, #tpu.memory_space<semaphore_mem>>
      %dma_start3A = tpu.memref_slice %arg7[%add3A_64] : memref<10240xf32, #tpu.memory_space<vmem_shared>> -> memref<80xf32, #tpu.memory_space<vmem_shared>>
      %dma_start3A_103 = tpu.memref_slice %arg7[%add3A_64] : memref<10240xf32, #tpu.memory_space<vmem_shared>> -> memref<80xf32, #tpu.memory_space<vmem_shared>>
      tpu.enqueue_dma source(%arg6 : memref<80xf32, #tpu.memory_space<vmem>>) target(%dma_start3A_103 : memref<80xf32, #tpu.memory_space<vmem_shared>>) target_semaphore(%run_scoped3A : memref<!tpu.dma_semaphore, #tpu.memory_space<semaphore_mem>>)
      %dma_wait3A = tpu.memref_slice %arg7[%add3A_64] : memref<10240xf32, #tpu.memory_space<vmem_shared>> -> memref<80xf32, #tpu.memory_space<vmem_shared>>
      %dma_wait3A_104 = tpu.memref_slice %arg7[%add3A_64] : memref<10240xf32, #tpu.memory_space<vmem_shared>> -> memref<80xf32, #tpu.memory_space<vmem_shared>>
      tpu.wait_dma2 semaphore(%run_scoped3A : memref<!tpu.dma_semaphore, #tpu.memory_space<semaphore_mem>>) src(%arg6 : memref<80xf32, #tpu.memory_space<vmem>>) dst(%dma_wait3A_104 : memref<80xf32, #tpu.memory_space<vmem_shared>>)
      tpu.yield
    }) : () -> ()
    %mul3A_65 = arith.constant 640 : i32
    %mul3A_66 = arith.muli %arg1, %mul3A_65 : i32
    %add3A_67 = arith.constant 80 : i32
    %add3A_68 = arith.addi %mul3A_66, %add3A_67 : i32
    "tpu.region"() ({
      %run_scoped3A = tpu.sem_alloc : memref<!tpu.dma_semaphore, #tpu.memory_space<semaphore_mem>>
      %dma_start3A = tpu.memref_slice %arg7[%add3A_68] : memref<10240xf32, #tpu.memory_space<vmem_shared>> -> memref<80xf32, #tpu.memory_space<vmem_shared>>
      %dma_start3A_103 = tpu.memref_slice %arg7[%add3A_68] : memref<10240xf32, #tpu.memory_space<vmem_shared>> -> memref<80xf32, #tpu.memory_space<vmem_shared>>
      tpu.enqueue_dma source(%arg6 : memref<80xf32, #tpu.memory_space<vmem>>) target(%dma_start3A_103 : memref<80xf32, #tpu.memory_space<vmem_shared>>) target_semaphore(%run_scoped3A : memref<!tpu.dma_semaphore, #tpu.memory_space<semaphore_mem>>)
      %dma_wait3A = tpu.memref_slice %arg7[%add3A_68] : memref<10240xf32, #tpu.memory_space<vmem_shared>> -> memref<80xf32, #tpu.memory_space<vmem_shared>>
      %dma_wait3A_104 = tpu.memref_slice %arg7[%add3A_68] : memref<10240xf32, #tpu.memory_space<vmem_shared>> -> memref<80xf32, #tpu.memory_space<vmem_shared>>
      tpu.wait_dma2 semaphore(%run_scoped3A : memref<!tpu.dma_semaphore, #tpu.memory_space<semaphore_mem>>) src(%arg6 : memref<80xf32, #tpu.memory_space<vmem>>) dst(%dma_wait3A_104 : memref<80xf32, #tpu.memory_space<vmem_shared>>)
      tpu.yield
    }) : () -> ()
    %mul3A_69 = arith.constant 640 : i32
    %mul3A_70 = arith.muli %arg1, %mul3A_69 : i32
    %add3A_71 = arith.constant 160 : i32
    %add3A_72 = arith.addi %mul3A_70, %add3A_71 : i32
    "tpu.region"() ({
      %run_scoped3A = tpu.sem_alloc : memref<!tpu.dma_semaphore, #tpu.memory_space<semaphore_mem>>
      %dma_start3A = tpu.memref_slice %arg7[%add3A_72] : memref<10240xf32, #tpu.memory_space<vmem_shared>> -> memref<80xf32, #tpu.memory_space<vmem_shared>>
      %dma_start3A_103 = tpu.memref_slice %arg7[%add3A_72] : memref<10240xf32, #tpu.memory_space<vmem_shared>> -> memref<80xf32, #tpu.memory_space<vmem_shared>>
      tpu.enqueue_dma source(%arg6 : memref<80xf32, #tpu.memory_space<vmem>>) target(%dma_start3A_103 : memref<80xf32, #tpu.memory_space<vmem_shared>>) target_semaphore(%run_scoped3A : memref<!tpu.dma_semaphore, #tpu.memory_space<semaphore_mem>>)
      %dma_wait3A = tpu.memref_slice %arg7[%add3A_72] : memref<10240xf32, #tpu.memory_space<vmem_shared>> -> memref<80xf32, #tpu.memory_space<vmem_shared>>
      %dma_wait3A_104 = tpu.memref_slice %arg7[%add3A_72] : memref<10240xf32, #tpu.memory_space<vmem_shared>> -> memref<80xf32, #tpu.memory_space<vmem_shared>>
      tpu.wait_dma2 semaphore(%run_scoped3A : memref<!tpu.dma_semaphore, #tpu.memory_space<semaphore_mem>>) src(%arg6 : memref<80xf32, #tpu.memory_space<vmem>>) dst(%dma_wait3A_104 : memref<80xf32, #tpu.memory_space<vmem_shared>>)
      tpu.yield
    }) : () -> ()
    %mul3A_73 = arith.constant 640 : i32
    %mul3A_74 = arith.muli %arg1, %mul3A_73 : i32
    %add3A_75 = arith.constant 240 : i32
    %add3A_76 = arith.addi %mul3A_74, %add3A_75 : i32
    "tpu.region"() ({
      %run_scoped3A = tpu.sem_alloc : memref<!tpu.dma_semaphore, #tpu.memory_space<semaphore_mem>>
      %dma_start3A = tpu.memref_slice %arg7[%add3A_76] : memref<10240xf32, #tpu.memory_space<vmem_shared>> -> memref<80xf32, #tpu.memory_space<vmem_shared>>
      %dma_start3A_103 = tpu.memref_slice %arg7[%add3A_76] : memref<10240xf32, #tpu.memory_space<vmem_shared>> -> memref<80xf32, #tpu.memory_space<vmem_shared>>
      tpu.enqueue_dma source(%arg6 : memref<80xf32, #tpu.memory_space<vmem>>) target(%dma_start3A_103 : memref<80xf32, #tpu.memory_space<vmem_shared>>) target_semaphore(%run_scoped3A : memref<!tpu.dma_semaphore, #tpu.memory_space<semaphore_mem>>)
      %dma_wait3A = tpu.memref_slice %arg7[%add3A_76] : memref<10240xf32, #tpu.memory_space<vmem_shared>> -> memref<80xf32, #tpu.memory_space<vmem_shared>>
      %dma_wait3A_104 = tpu.memref_slice %arg7[%add3A_76] : memref<10240xf32, #tpu.memory_space<vmem_shared>> -> memref<80xf32, #tpu.memory_space<vmem_shared>>
      tpu.wait_dma2 semaphore(%run_scoped3A : memref<!tpu.dma_semaphore, #tpu.memory_space<semaphore_mem>>) src(%arg6 : memref<80xf32, #tpu.memory_space<vmem>>) dst(%dma_wait3A_104 : memref<80xf32, #tpu.memory_space<vmem_shared>>)
      tpu.yield
    }) : () -> ()
    %mul3A_77 = arith.constant 640 : i32
    %mul3A_78 = arith.muli %arg1, %mul3A_77 : i32
    %add3A_79 = arith.constant 320 : i32
    %add3A_80 = arith.addi %mul3A_78, %add3A_79 : i32
    "tpu.region"() ({
      %run_scoped3A = tpu.sem_alloc : memref<!tpu.dma_semaphore, #tpu.memory_space<semaphore_mem>>
      %dma_start3A = tpu.memref_slice %arg7[%add3A_80] : memref<10240xf32, #tpu.memory_space<vmem_shared>> -> memref<80xf32, #tpu.memory_space<vmem_shared>>
      %dma_start3A_103 = tpu.memref_slice %arg7[%add3A_80] : memref<10240xf32, #tpu.memory_space<vmem_shared>> -> memref<80xf32, #tpu.memory_space<vmem_shared>>
      tpu.enqueue_dma source(%arg6 : memref<80xf32, #tpu.memory_space<vmem>>) target(%dma_start3A_103 : memref<80xf32, #tpu.memory_space<vmem_shared>>) target_semaphore(%run_scoped3A : memref<!tpu.dma_semaphore, #tpu.memory_space<semaphore_mem>>)
      %dma_wait3A = tpu.memref_slice %arg7[%add3A_80] : memref<10240xf32, #tpu.memory_space<vmem_shared>> -> memref<80xf32, #tpu.memory_space<vmem_shared>>
      %dma_wait3A_104 = tpu.memref_slice %arg7[%add3A_80] : memref<10240xf32, #tpu.memory_space<vmem_shared>> -> memref<80xf32, #tpu.memory_space<vmem_shared>>
      tpu.wait_dma2 semaphore(%run_scoped3A : memref<!tpu.dma_semaphore, #tpu.memory_space<semaphore_mem>>) src(%arg6 : memref<80xf32, #tpu.memory_space<vmem>>) dst(%dma_wait3A_104 : memref<80xf32, #tpu.memory_space<vmem_shared>>)
      tpu.yield
    }) : () -> ()
    %mul3A_81 = arith.constant 640 : i32
    %mul3A_82 = arith.muli %arg1, %mul3A_81 : i32
    %add3A_83 = arith.constant 400 : i32
    %add3A_84 = arith.addi %mul3A_82, %add3A_83 : i32
    "tpu.region"() ({
      %run_scoped3A = tpu.sem_alloc : memref<!tpu.dma_semaphore, #tpu.memory_space<semaphore_mem>>
      %dma_start3A = tpu.memref_slice %arg7[%add3A_84] : memref<10240xf32, #tpu.memory_space<vmem_shared>> -> memref<80xf32, #tpu.memory_space<vmem_shared>>
      %dma_start3A_103 = tpu.memref_slice %arg7[%add3A_84] : memref<10240xf32, #tpu.memory_space<vmem_shared>> -> memref<80xf32, #tpu.memory_space<vmem_shared>>
      tpu.enqueue_dma source(%arg6 : memref<80xf32, #tpu.memory_space<vmem>>) target(%dma_start3A_103 : memref<80xf32, #tpu.memory_space<vmem_shared>>) target_semaphore(%run_scoped3A : memref<!tpu.dma_semaphore, #tpu.memory_space<semaphore_mem>>)
      %dma_wait3A = tpu.memref_slice %arg7[%add3A_84] : memref<10240xf32, #tpu.memory_space<vmem_shared>> -> memref<80xf32, #tpu.memory_space<vmem_shared>>
      %dma_wait3A_104 = tpu.memref_slice %arg7[%add3A_84] : memref<10240xf32, #tpu.memory_space<vmem_shared>> -> memref<80xf32, #tpu.memory_space<vmem_shared>>
      tpu.wait_dma2 semaphore(%run_scoped3A : memref<!tpu.dma_semaphore, #tpu.memory_space<semaphore_mem>>) src(%arg6 : memref<80xf32, #tpu.memory_space<vmem>>) dst(%dma_wait3A_104 : memref<80xf32, #tpu.memory_space<vmem_shared>>)
      tpu.yield
    }) : () -> ()
    %mul3A_85 = arith.constant 640 : i32
    %mul3A_86 = arith.muli %arg1, %mul3A_85 : i32
    %add3A_87 = arith.constant 480 : i32
    %add3A_88 = arith.addi %mul3A_86, %add3A_87 : i32
    "tpu.region"() ({
      %run_scoped3A = tpu.sem_alloc : memref<!tpu.dma_semaphore, #tpu.memory_space<semaphore_mem>>
      %dma_start3A = tpu.memref_slice %arg7[%add3A_88] : memref<10240xf32, #tpu.memory_space<vmem_shared>> -> memref<80xf32, #tpu.memory_space<vmem_shared>>
      %dma_start3A_103 = tpu.memref_slice %arg7[%add3A_88] : memref<10240xf32, #tpu.memory_space<vmem_shared>> -> memref<80xf32, #tpu.memory_space<vmem_shared>>
      tpu.enqueue_dma source(%arg6 : memref<80xf32, #tpu.memory_space<vmem>>) target(%dma_start3A_103 : memref<80xf32, #tpu.memory_space<vmem_shared>>) target_semaphore(%run_scoped3A : memref<!tpu.dma_semaphore, #tpu.memory_space<semaphore_mem>>)
      %dma_wait3A = tpu.memref_slice %arg7[%add3A_88] : memref<10240xf32, #tpu.memory_space<vmem_shared>> -> memref<80xf32, #tpu.memory_space<vmem_shared>>
      %dma_wait3A_104 = tpu.memref_slice %arg7[%add3A_88] : memref<10240xf32, #tpu.memory_space<vmem_shared>> -> memref<80xf32, #tpu.memory_space<vmem_shared>>
      tpu.wait_dma2 semaphore(%run_scoped3A : memref<!tpu.dma_semaphore, #tpu.memory_space<semaphore_mem>>) src(%arg6 : memref<80xf32, #tpu.memory_space<vmem>>) dst(%dma_wait3A_104 : memref<80xf32, #tpu.memory_space<vmem_shared>>)
      tpu.yield
    }) : () -> ()
    %mul3A_89 = arith.constant 640 : i32
    %mul3A_90 = arith.muli %arg1, %mul3A_89 : i32
    %add3A_91 = arith.constant 560 : i32
    %add3A_92 = arith.addi %mul3A_90, %add3A_91 : i32
    "tpu.region"() ({
      %run_scoped3A = tpu.sem_alloc : memref<!tpu.dma_semaphore, #tpu.memory_space<semaphore_mem>>
      %dma_start3A = tpu.memref_slice %arg7[%add3A_92] : memref<10240xf32, #tpu.memory_space<vmem_shared>> -> memref<80xf32, #tpu.memory_space<vmem_shared>>
      %dma_start3A_103 = tpu.memref_slice %arg7[%add3A_92] : memref<10240xf32, #tpu.memory_space<vmem_shared>> -> memref<80xf32, #tpu.memory_space<vmem_shared>>
      tpu.enqueue_dma source(%arg6 : memref<80xf32, #tpu.memory_space<vmem>>) target(%dma_start3A_103 : memref<80xf32, #tpu.memory_space<vmem_shared>>) target_semaphore(%run_scoped3A : memref<!tpu.dma_semaphore, #tpu.memory_space<semaphore_mem>>)
      %dma_wait3A = tpu.memref_slice %arg7[%add3A_92] : memref<10240xf32, #tpu.memory_space<vmem_shared>> -> memref<80xf32, #tpu.memory_space<vmem_shared>>
      %dma_wait3A_104 = tpu.memref_slice %arg7[%add3A_92] : memref<10240xf32, #tpu.memory_space<vmem_shared>> -> memref<80xf32, #tpu.memory_space<vmem_shared>>
      tpu.wait_dma2 semaphore(%run_scoped3A : memref<!tpu.dma_semaphore, #tpu.memory_space<semaphore_mem>>) src(%arg6 : memref<80xf32, #tpu.memory_space<vmem>>) dst(%dma_wait3A_104 : memref<80xf32, #tpu.memory_space<vmem_shared>>)
      tpu.yield
    }) : () -> ()
    %barrier3A = arith.constant 0 : index
    tpu.barrier barrier_id(%barrier3A)
    %scan3A = arith.constant 0 : i32
    %scan3A_93 = arith.constant 0 : i32
    %scan3A_94 = arith.constant 125 : i32
    %scan3A_95 = arith.addi %scan3A_93, %scan3A_94 : i32
    %scan3A_96 = arith.constant 1 : i32
    scf.for %scan3A_103 = %scan3A_93 to %scan3A_95 step %scan3A_96  : i32 {
      %mul3A_104 = arith.constant 80 : i32
      %mul3A_105 = arith.muli %scan3A_103, %mul3A_104 : i32
      "tpu.region"() ({
        %run_scoped3A = tpu.sem_alloc : memref<!tpu.dma_semaphore, #tpu.memory_space<semaphore_mem>>
        %dma_start3A = tpu.memref_slice %arg4[%mul3A_105] : memref<10000xi32, #tpu.memory_space<vmem>> -> memref<80xi32, #tpu.memory_space<vmem>>
        %dma_start3A_106 = arith.constant 0 : i32
        %dma_start3A_107 = tpu.memref_slice %arg7[%dma_start3A_106] : memref<10240xf32, #tpu.memory_space<vmem_shared>> -> memref<10240xf32, #tpu.memory_space<vmem_shared>>
        tpu.enqueue_indirect_dma source(%arg5 : memref<80xf32, #tpu.memory_space<vmem>>) target(%dma_start3A_107 : memref<10240xf32, #tpu.memory_space<vmem_shared>>) offsets(%dma_start3A : memref<80xi32, #tpu.memory_space<vmem>>) semaphore(%run_scoped3A : memref<!tpu.dma_semaphore, #tpu.memory_space<semaphore_mem>>) {add = true}
        %dma_wait3A = tpu.memref_slice %arg4[%mul3A_105] : memref<10000xi32, #tpu.memory_space<vmem>> -> memref<80xi32, #tpu.memory_space<vmem>>
        %dma_wait3A_108 = arith.constant 0 : i32
        %dma_wait3A_109 = tpu.memref_slice %arg7[%dma_wait3A_108] : memref<10240xf32, #tpu.memory_space<vmem_shared>> -> memref<10240xf32, #tpu.memory_space<vmem_shared>>
        tpu.wait_indirect_dma semaphore(%run_scoped3A : memref<!tpu.dma_semaphore, #tpu.memory_space<semaphore_mem>>) src(%arg5 : memref<80xf32, #tpu.memory_space<vmem>>) dst(%dma_wait3A_109 : memref<10240xf32, #tpu.memory_space<vmem_shared>>)
        tpu.yield
      }) : () -> ()
    }
    %scan3A_97 = arith.constant 125 : i32
    %barrier3A_98 = arith.constant 0 : index
    tpu.barrier barrier_id(%barrier3A_98)
    %mul3A_99 = arith.constant 640 : i32
    %mul3A_100 = arith.muli %arg1, %mul3A_99 : i32
    %mul3A_101 = arith.constant 640 : i32
    %mul3A_102 = arith.muli %arg1, %mul3A_101 : i32
    "tpu.region"() ({
      %run_scoped3A = tpu.sem_alloc : memref<!tpu.dma_semaphore, #tpu.memory_space<semaphore_mem>>
      %dma_start3A = tpu.memref_slice %arg3[%arg0, %mul3A_102] : memref<2x10240xf32, #tpu.memory_space<hbm>> -> memref<1x640xf32, #tpu.memory_space<hbm>>
      %dma_start3A_103 = tpu.memref_squeeze %dma_start3A : memref<1x640xf32, #tpu.memory_space<hbm>> -> memref<640xf32, #tpu.memory_space<hbm>>
      %dma_start3A_104 = tpu.memref_slice %arg7[%mul3A_100] : memref<10240xf32, #tpu.memory_space<vmem_shared>> -> memref<640xf32, #tpu.memory_space<vmem_shared>>
      tpu.enqueue_dma source(%dma_start3A_104 : memref<640xf32, #tpu.memory_space<vmem_shared>>) target(%dma_start3A_103 : memref<640xf32, #tpu.memory_space<hbm>>) target_semaphore(%run_scoped3A : memref<!tpu.dma_semaphore, #tpu.memory_space<semaphore_mem>>)
      %dma_wait3A = tpu.memref_slice %arg3[%arg0, %mul3A_102] : memref<2x10240xf32, #tpu.memory_space<hbm>> -> memref<1x640xf32, #tpu.memory_space<hbm>>
      %dma_wait3A_105 = tpu.memref_squeeze %dma_wait3A : memref<1x640xf32, #tpu.memory_space<hbm>> -> memref<640xf32, #tpu.memory_space<hbm>>
      %dma_wait3A_106 = tpu.memref_slice %arg7[%mul3A_100] : memref<10240xf32, #tpu.memory_space<vmem_shared>> -> memref<640xf32, #tpu.memory_space<vmem_shared>>
      tpu.wait_dma2 semaphore(%run_scoped3A : memref<!tpu.dma_semaphore, #tpu.memory_space<semaphore_mem>>) src(%dma_wait3A_106 : memref<640xf32, #tpu.memory_space<vmem_shared>>) dst(%dma_wait3A_105 : memref<640xf32, #tpu.memory_space<hbm>>)
      tpu.yield
    }) : () -> ()
    return
  }
}

#map = affine_map<(d0, d1) -> (0)>
#map1 = affine_map<(d0, d1) -> (0, 0)>
#map2 = affine_map<(d0, d1) -> (0, 0, 0)>
module attributes {stable_mosaic.version = 14 : i64} {
  func.func @_agg_body(%arg0: i32, %arg1: i32, %arg2: memref<320000xi32, #tpu.memory_space<hbm>>, %arg3: memref<320000xi32, #tpu.memory_space<hbm>>, %arg4: memref<10000x128xf32, #tpu.memory_space<hbm>>, %arg5: memref<2x10240x128xf32, #tpu.memory_space<hbm>>, %arg6: memref<10000xi32, #tpu.memory_space<vmem>>, %arg7: memref<10000xi32, #tpu.memory_space<vmem>>, %arg8: memref<80x128xf32, #tpu.memory_space<vmem>>, %arg9: memref<80x128xf32, #tpu.memory_space<vmem>>, %arg10: memref<10240x128xf32, #tpu.memory_space<vmem_shared>>, %arg11: memref<!tpu.dma_semaphore, #tpu.memory_space<semaphore_mem>>, %arg12: memref<!tpu.dma_semaphore, #tpu.memory_space<semaphore_mem>>) attributes {dimension_semantics = [#tpu.dimension_semantics<core_parallel>, #tpu.dimension_semantics<subcore_parallel>], iteration_bounds = array<i64: 2, 16>, scalar_prefetch = 0 : i64, scratch_operands = 7 : i64, tpu.core_type = #tpu.core_type<sc_vector_subcore>, window_params = [{transform_indices = #map}, {transform_indices = #map}, {transform_indices = #map1}, {transform_indices = #map2}]} {
    %mul3A = arith.constant 2 : i32
    %mul3A_0 = arith.muli %arg1, %mul3A : i32
    %add3A = arith.addi %mul3A_0, %arg0 : i32
    %mul3A_1 = arith.constant 10000 : i32
    %mul3A_2 = arith.muli %add3A, %mul3A_1 : i32
    "tpu.region"() ({
      %run_scoped3A = tpu.sem_alloc : memref<!tpu.dma_semaphore, #tpu.memory_space<semaphore_mem>>
      %dma_start3A_61 = tpu.memref_slice %arg2[%mul3A_2] : memref<320000xi32, #tpu.memory_space<hbm>> -> memref<10000xi32, #tpu.memory_space<hbm>>
      %dma_start3A_62 = tpu.memref_slice %arg2[%mul3A_2] : memref<320000xi32, #tpu.memory_space<hbm>> -> memref<10000xi32, #tpu.memory_space<hbm>>
      tpu.enqueue_dma source(%dma_start3A_62 : memref<10000xi32, #tpu.memory_space<hbm>>) target(%arg6 : memref<10000xi32, #tpu.memory_space<vmem>>) target_semaphore(%run_scoped3A : memref<!tpu.dma_semaphore, #tpu.memory_space<semaphore_mem>>)
      %dma_wait3A_63 = tpu.memref_slice %arg2[%mul3A_2] : memref<320000xi32, #tpu.memory_space<hbm>> -> memref<10000xi32, #tpu.memory_space<hbm>>
      %dma_wait3A_64 = tpu.memref_slice %arg2[%mul3A_2] : memref<320000xi32, #tpu.memory_space<hbm>> -> memref<10000xi32, #tpu.memory_space<hbm>>
      tpu.wait_dma2 semaphore(%run_scoped3A : memref<!tpu.dma_semaphore, #tpu.memory_space<semaphore_mem>>) src(%dma_wait3A_64 : memref<10000xi32, #tpu.memory_space<hbm>>) dst(%arg6 : memref<10000xi32, #tpu.memory_space<vmem>>)
      tpu.yield
    }) : () -> ()
    %mul3A_3 = arith.constant 10000 : i32
    %mul3A_4 = arith.muli %add3A, %mul3A_3 : i32
    "tpu.region"() ({
      %run_scoped3A = tpu.sem_alloc : memref<!tpu.dma_semaphore, #tpu.memory_space<semaphore_mem>>
      %dma_start3A_61 = tpu.memref_slice %arg3[%mul3A_4] : memref<320000xi32, #tpu.memory_space<hbm>> -> memref<10000xi32, #tpu.memory_space<hbm>>
      %dma_start3A_62 = tpu.memref_slice %arg3[%mul3A_4] : memref<320000xi32, #tpu.memory_space<hbm>> -> memref<10000xi32, #tpu.memory_space<hbm>>
      tpu.enqueue_dma source(%dma_start3A_62 : memref<10000xi32, #tpu.memory_space<hbm>>) target(%arg7 : memref<10000xi32, #tpu.memory_space<vmem>>) target_semaphore(%run_scoped3A : memref<!tpu.dma_semaphore, #tpu.memory_space<semaphore_mem>>)
      %dma_wait3A_63 = tpu.memref_slice %arg3[%mul3A_4] : memref<320000xi32, #tpu.memory_space<hbm>> -> memref<10000xi32, #tpu.memory_space<hbm>>
      %dma_wait3A_64 = tpu.memref_slice %arg3[%mul3A_4] : memref<320000xi32, #tpu.memory_space<hbm>> -> memref<10000xi32, #tpu.memory_space<hbm>>
      tpu.wait_dma2 semaphore(%run_scoped3A : memref<!tpu.dma_semaphore, #tpu.memory_space<semaphore_mem>>) src(%dma_wait3A_64 : memref<10000xi32, #tpu.memory_space<hbm>>) dst(%arg7 : memref<10000xi32, #tpu.memory_space<vmem>>)
      tpu.yield
    }) : () -> ()
    %scan3A = arith.constant 0 : i32
    %scan3A_5 = arith.constant 0 : i32
    %scan3A_6 = arith.constant 80 : i32
    %scan3A_7 = arith.addi %scan3A_5, %scan3A_6 : i32
    %scan3A_8 = arith.constant 1 : i32
    scf.for %scan3A_61 = %scan3A_5 to %scan3A_7 step %scan3A_8  : i32 {
      %broadcast_in_dim3A = arith.constant 0.000000e+00 : f32
      %broadcast_in_dim3A_62 = vector.broadcast %broadcast_in_dim3A : f32 to vector<16xf32>
      %swap3A = arith.index_cast %scan3A_61 : i32 to index
      %swap3A_63 = arith.constant 0 : index
      %swap3A_64 = tpu.vector_load %arg8[%swap3A, %swap3A_63] {strides = array<i32>} : memref<80x128xf32, #tpu.memory_space<vmem>>, vector<1x16xf32>,
      %swap3A_65 = vector.shape_cast %swap3A_64 : vector<1x16xf32> to vector<16xf32>
      %swap3A_66 = vector.shape_cast %broadcast_in_dim3A_62 : vector<16xf32> to vector<1x16xf32>
      tpu.vector_store %arg8[%swap3A, %swap3A_63], %swap3A_66 {strides = array<i32>} : memref<80x128xf32, #tpu.memory_space<vmem>>, vector<1x16xf32>,
      %broadcast_in_dim3A_67 = arith.constant 0.000000e+00 : f32
      %broadcast_in_dim3A_68 = vector.broadcast %broadcast_in_dim3A_67 : f32 to vector<16xf32>
      %swap3A_69 = arith.index_cast %scan3A_61 : i32 to index
      %swap3A_70 = arith.constant 16 : index
      %swap3A_71 = tpu.vector_load %arg8[%swap3A_69, %swap3A_70] {strides = array<i32>} : memref<80x128xf32, #tpu.memory_space<vmem>>, vector<1x16xf32>,
      %swap3A_72 = vector.shape_cast %swap3A_71 : vector<1x16xf32> to vector<16xf32>
      %swap3A_73 = vector.shape_cast %broadcast_in_dim3A_68 : vector<16xf32> to vector<1x16xf32>
      tpu.vector_store %arg8[%swap3A_69, %swap3A_70], %swap3A_73 {strides = array<i32>} : memref<80x128xf32, #tpu.memory_space<vmem>>, vector<1x16xf32>,
      %broadcast_in_dim3A_74 = arith.constant 0.000000e+00 : f32
      %broadcast_in_dim3A_75 = vector.broadcast %broadcast_in_dim3A_74 : f32 to vector<16xf32>
      %swap3A_76 = arith.index_cast %scan3A_61 : i32 to index
      %swap3A_77 = arith.constant 32 : index
      %swap3A_78 = tpu.vector_load %arg8[%swap3A_76, %swap3A_77] {strides = array<i32>} : memref<80x128xf32, #tpu.memory_space<vmem>>, vector<1x16xf32>,
      %swap3A_79 = vector.shape_cast %swap3A_78 : vector<1x16xf32> to vector<16xf32>
      %swap3A_80 = vector.shape_cast %broadcast_in_dim3A_75 : vector<16xf32> to vector<1x16xf32>
      tpu.vector_store %arg8[%swap3A_76, %swap3A_77], %swap3A_80 {strides = array<i32>} : memref<80x128xf32, #tpu.memory_space<vmem>>, vector<1x16xf32>,
      %broadcast_in_dim3A_81 = arith.constant 0.000000e+00 : f32
      %broadcast_in_dim3A_82 = vector.broadcast %broadcast_in_dim3A_81 : f32 to vector<16xf32>
      %swap3A_83 = arith.index_cast %scan3A_61 : i32 to index
      %swap3A_84 = arith.constant 48 : index
      %swap3A_85 = tpu.vector_load %arg8[%swap3A_83, %swap3A_84] {strides = array<i32>} : memref<80x128xf32, #tpu.memory_space<vmem>>, vector<1x16xf32>,
      %swap3A_86 = vector.shape_cast %swap3A_85 : vector<1x16xf32> to vector<16xf32>
      %swap3A_87 = vector.shape_cast %broadcast_in_dim3A_82 : vector<16xf32> to vector<1x16xf32>
      tpu.vector_store %arg8[%swap3A_83, %swap3A_84], %swap3A_87 {strides = array<i32>} : memref<80x128xf32, #tpu.memory_space<vmem>>, vector<1x16xf32>,
      %broadcast_in_dim3A_88 = arith.constant 0.000000e+00 : f32
      %broadcast_in_dim3A_89 = vector.broadcast %broadcast_in_dim3A_88 : f32 to vector<16xf32>
      %swap3A_90 = arith.index_cast %scan3A_61 : i32 to index
      %swap3A_91 = arith.constant 64 : index
      %swap3A_92 = tpu.vector_load %arg8[%swap3A_90, %swap3A_91] {strides = array<i32>} : memref<80x128xf32, #tpu.memory_space<vmem>>, vector<1x16xf32>,
      %swap3A_93 = vector.shape_cast %swap3A_92 : vector<1x16xf32> to vector<16xf32>
      %swap3A_94 = vector.shape_cast %broadcast_in_dim3A_89 : vector<16xf32> to vector<1x16xf32>
      tpu.vector_store %arg8[%swap3A_90, %swap3A_91], %swap3A_94 {strides = array<i32>} : memref<80x128xf32, #tpu.memory_space<vmem>>, vector<1x16xf32>,
      %broadcast_in_dim3A_95 = arith.constant 0.000000e+00 : f32
      %broadcast_in_dim3A_96 = vector.broadcast %broadcast_in_dim3A_95 : f32 to vector<16xf32>
      %swap3A_97 = arith.index_cast %scan3A_61 : i32 to index
      %swap3A_98 = arith.constant 80 : index
      %swap3A_99 = tpu.vector_load %arg8[%swap3A_97, %swap3A_98] {strides = array<i32>} : memref<80x128xf32, #tpu.memory_space<vmem>>, vector<1x16xf32>,
      %swap3A_100 = vector.shape_cast %swap3A_99 : vector<1x16xf32> to vector<16xf32>
      %swap3A_101 = vector.shape_cast %broadcast_in_dim3A_96 : vector<16xf32> to vector<1x16xf32>
      tpu.vector_store %arg8[%swap3A_97, %swap3A_98], %swap3A_101 {strides = array<i32>} : memref<80x128xf32, #tpu.memory_space<vmem>>, vector<1x16xf32>,
      %broadcast_in_dim3A_102 = arith.constant 0.000000e+00 : f32
      %broadcast_in_dim3A_103 = vector.broadcast %broadcast_in_dim3A_102 : f32 to vector<16xf32>
      %swap3A_104 = arith.index_cast %scan3A_61 : i32 to index
      %swap3A_105 = arith.constant 96 : index
      %swap3A_106 = tpu.vector_load %arg8[%swap3A_104, %swap3A_105] {strides = array<i32>} : memref<80x128xf32, #tpu.memory_space<vmem>>, vector<1x16xf32>,
      %swap3A_107 = vector.shape_cast %swap3A_106 : vector<1x16xf32> to vector<16xf32>
      %swap3A_108 = vector.shape_cast %broadcast_in_dim3A_103 : vector<16xf32> to vector<1x16xf32>
      tpu.vector_store %arg8[%swap3A_104, %swap3A_105], %swap3A_108 {strides = array<i32>} : memref<80x128xf32, #tpu.memory_space<vmem>>, vector<1x16xf32>,
      %broadcast_in_dim3A_109 = arith.constant 0.000000e+00 : f32
      %broadcast_in_dim3A_110 = vector.broadcast %broadcast_in_dim3A_109 : f32 to vector<16xf32>
      %swap3A_111 = arith.index_cast %scan3A_61 : i32 to index
      %swap3A_112 = arith.constant 112 : index
      %swap3A_113 = tpu.vector_load %arg8[%swap3A_111, %swap3A_112] {strides = array<i32>} : memref<80x128xf32, #tpu.memory_space<vmem>>, vector<1x16xf32>,
      %swap3A_114 = vector.shape_cast %swap3A_113 : vector<1x16xf32> to vector<16xf32>
      %swap3A_115 = vector.shape_cast %broadcast_in_dim3A_110 : vector<16xf32> to vector<1x16xf32>
      tpu.vector_store %arg8[%swap3A_111, %swap3A_112], %swap3A_115 {strides = array<i32>} : memref<80x128xf32, #tpu.memory_space<vmem>>, vector<1x16xf32>,
    }
    %scan3A_9 = arith.constant 80 : i32
    %mul3A_10 = arith.constant 640 : i32
    %mul3A_11 = arith.muli %arg1, %mul3A_10 : i32
    %add3A_12 = arith.constant 0 : i32
    %add3A_13 = arith.addi %mul3A_11, %add3A_12 : i32
    "tpu.region"() ({
      %run_scoped3A = tpu.sem_alloc : memref<!tpu.dma_semaphore, #tpu.memory_space<semaphore_mem>>
      %dma_start3A_61 = arith.constant 0 : i32
      %dma_start3A_62 = tpu.memref_slice %arg10[%add3A_13, %dma_start3A_61] : memref<10240x128xf32, #tpu.memory_space<vmem_shared>> -> memref<80x128xf32, #tpu.memory_space<vmem_shared>>
      %dma_start3A_63 = arith.constant 0 : i32
      %dma_start3A_64 = tpu.memref_slice %arg10[%add3A_13, %dma_start3A_63] : memref<10240x128xf32, #tpu.memory_space<vmem_shared>> -> memref<80x128xf32, #tpu.memory_space<vmem_shared>>
      tpu.enqueue_dma source(%arg8 : memref<80x128xf32, #tpu.memory_space<vmem>>) target(%dma_start3A_64 : memref<80x128xf32, #tpu.memory_space<vmem_shared>>) target_semaphore(%run_scoped3A : memref<!tpu.dma_semaphore, #tpu.memory_space<semaphore_mem>>)
      %dma_wait3A_65 = arith.constant 0 : i32
      %dma_wait3A_66 = tpu.memref_slice %arg10[%add3A_13, %dma_wait3A_65] : memref<10240x128xf32, #tpu.memory_space<vmem_shared>> -> memref<80x128xf32, #tpu.memory_space<vmem_shared>>
      %dma_wait3A_67 = arith.constant 0 : i32
      %dma_wait3A_68 = tpu.memref_slice %arg10[%add3A_13, %dma_wait3A_67] : memref<10240x128xf32, #tpu.memory_space<vmem_shared>> -> memref<80x128xf32, #tpu.memory_space<vmem_shared>>
      tpu.wait_dma2 semaphore(%run_scoped3A : memref<!tpu.dma_semaphore, #tpu.memory_space<semaphore_mem>>) src(%arg8 : memref<80x128xf32, #tpu.memory_space<vmem>>) dst(%dma_wait3A_68 : memref<80x128xf32, #tpu.memory_space<vmem_shared>>)
      tpu.yield
    }) : () -> ()
    %mul3A_14 = arith.constant 640 : i32
    %mul3A_15 = arith.muli %arg1, %mul3A_14 : i32
    %add3A_16 = arith.constant 80 : i32
    %add3A_17 = arith.addi %mul3A_15, %add3A_16 : i32
    "tpu.region"() ({
      %run_scoped3A = tpu.sem_alloc : memref<!tpu.dma_semaphore, #tpu.memory_space<semaphore_mem>>
      %dma_start3A_61 = arith.constant 0 : i32
      %dma_start3A_62 = tpu.memref_slice %arg10[%add3A_17, %dma_start3A_61] : memref<10240x128xf32, #tpu.memory_space<vmem_shared>> -> memref<80x128xf32, #tpu.memory_space<vmem_shared>>
      %dma_start3A_63 = arith.constant 0 : i32
      %dma_start3A_64 = tpu.memref_slice %arg10[%add3A_17, %dma_start3A_63] : memref<10240x128xf32, #tpu.memory_space<vmem_shared>> -> memref<80x128xf32, #tpu.memory_space<vmem_shared>>
      tpu.enqueue_dma source(%arg8 : memref<80x128xf32, #tpu.memory_space<vmem>>) target(%dma_start3A_64 : memref<80x128xf32, #tpu.memory_space<vmem_shared>>) target_semaphore(%run_scoped3A : memref<!tpu.dma_semaphore, #tpu.memory_space<semaphore_mem>>)
      %dma_wait3A_65 = arith.constant 0 : i32
      %dma_wait3A_66 = tpu.memref_slice %arg10[%add3A_17, %dma_wait3A_65] : memref<10240x128xf32, #tpu.memory_space<vmem_shared>> -> memref<80x128xf32, #tpu.memory_space<vmem_shared>>
      %dma_wait3A_67 = arith.constant 0 : i32
      %dma_wait3A_68 = tpu.memref_slice %arg10[%add3A_17, %dma_wait3A_67] : memref<10240x128xf32, #tpu.memory_space<vmem_shared>> -> memref<80x128xf32, #tpu.memory_space<vmem_shared>>
      tpu.wait_dma2 semaphore(%run_scoped3A : memref<!tpu.dma_semaphore, #tpu.memory_space<semaphore_mem>>) src(%arg8 : memref<80x128xf32, #tpu.memory_space<vmem>>) dst(%dma_wait3A_68 : memref<80x128xf32, #tpu.memory_space<vmem_shared>>)
      tpu.yield
    }) : () -> ()
    %mul3A_18 = arith.constant 640 : i32
    %mul3A_19 = arith.muli %arg1, %mul3A_18 : i32
    %add3A_20 = arith.constant 160 : i32
    %add3A_21 = arith.addi %mul3A_19, %add3A_20 : i32
    "tpu.region"() ({
      %run_scoped3A = tpu.sem_alloc : memref<!tpu.dma_semaphore, #tpu.memory_space<semaphore_mem>>
      %dma_start3A_61 = arith.constant 0 : i32
      %dma_start3A_62 = tpu.memref_slice %arg10[%add3A_21, %dma_start3A_61] : memref<10240x128xf32, #tpu.memory_space<vmem_shared>> -> memref<80x128xf32, #tpu.memory_space<vmem_shared>>
      %dma_start3A_63 = arith.constant 0 : i32
      %dma_start3A_64 = tpu.memref_slice %arg10[%add3A_21, %dma_start3A_63] : memref<10240x128xf32, #tpu.memory_space<vmem_shared>> -> memref<80x128xf32, #tpu.memory_space<vmem_shared>>
      tpu.enqueue_dma source(%arg8 : memref<80x128xf32, #tpu.memory_space<vmem>>) target(%dma_start3A_64 : memref<80x128xf32, #tpu.memory_space<vmem_shared>>) target_semaphore(%run_scoped3A : memref<!tpu.dma_semaphore, #tpu.memory_space<semaphore_mem>>)
      %dma_wait3A_65 = arith.constant 0 : i32
      %dma_wait3A_66 = tpu.memref_slice %arg10[%add3A_21, %dma_wait3A_65] : memref<10240x128xf32, #tpu.memory_space<vmem_shared>> -> memref<80x128xf32, #tpu.memory_space<vmem_shared>>
      %dma_wait3A_67 = arith.constant 0 : i32
      %dma_wait3A_68 = tpu.memref_slice %arg10[%add3A_21, %dma_wait3A_67] : memref<10240x128xf32, #tpu.memory_space<vmem_shared>> -> memref<80x128xf32, #tpu.memory_space<vmem_shared>>
      tpu.wait_dma2 semaphore(%run_scoped3A : memref<!tpu.dma_semaphore, #tpu.memory_space<semaphore_mem>>) src(%arg8 : memref<80x128xf32, #tpu.memory_space<vmem>>) dst(%dma_wait3A_68 : memref<80x128xf32, #tpu.memory_space<vmem_shared>>)
      tpu.yield
    }) : () -> ()
    %mul3A_22 = arith.constant 640 : i32
    %mul3A_23 = arith.muli %arg1, %mul3A_22 : i32
    %add3A_24 = arith.constant 240 : i32
    %add3A_25 = arith.addi %mul3A_23, %add3A_24 : i32
    "tpu.region"() ({
      %run_scoped3A = tpu.sem_alloc : memref<!tpu.dma_semaphore, #tpu.memory_space<semaphore_mem>>
      %dma_start3A_61 = arith.constant 0 : i32
      %dma_start3A_62 = tpu.memref_slice %arg10[%add3A_25, %dma_start3A_61] : memref<10240x128xf32, #tpu.memory_space<vmem_shared>> -> memref<80x128xf32, #tpu.memory_space<vmem_shared>>
      %dma_start3A_63 = arith.constant 0 : i32
      %dma_start3A_64 = tpu.memref_slice %arg10[%add3A_25, %dma_start3A_63] : memref<10240x128xf32, #tpu.memory_space<vmem_shared>> -> memref<80x128xf32, #tpu.memory_space<vmem_shared>>
      tpu.enqueue_dma source(%arg8 : memref<80x128xf32, #tpu.memory_space<vmem>>) target(%dma_start3A_64 : memref<80x128xf32, #tpu.memory_space<vmem_shared>>) target_semaphore(%run_scoped3A : memref<!tpu.dma_semaphore, #tpu.memory_space<semaphore_mem>>)
      %dma_wait3A_65 = arith.constant 0 : i32
      %dma_wait3A_66 = tpu.memref_slice %arg10[%add3A_25, %dma_wait3A_65] : memref<10240x128xf32, #tpu.memory_space<vmem_shared>> -> memref<80x128xf32, #tpu.memory_space<vmem_shared>>
      %dma_wait3A_67 = arith.constant 0 : i32
      %dma_wait3A_68 = tpu.memref_slice %arg10[%add3A_25, %dma_wait3A_67] : memref<10240x128xf32, #tpu.memory_space<vmem_shared>> -> memref<80x128xf32, #tpu.memory_space<vmem_shared>>
      tpu.wait_dma2 semaphore(%run_scoped3A : memref<!tpu.dma_semaphore, #tpu.memory_space<semaphore_mem>>) src(%arg8 : memref<80x128xf32, #tpu.memory_space<vmem>>) dst(%dma_wait3A_68 : memref<80x128xf32, #tpu.memory_space<vmem_shared>>)
      tpu.yield
    }) : () -> ()
    %mul3A_26 = arith.constant 640 : i32
    %mul3A_27 = arith.muli %arg1, %mul3A_26 : i32
    %add3A_28 = arith.constant 320 : i32
    %add3A_29 = arith.addi %mul3A_27, %add3A_28 : i32
    "tpu.region"() ({
      %run_scoped3A = tpu.sem_alloc : memref<!tpu.dma_semaphore, #tpu.memory_space<semaphore_mem>>
      %dma_start3A_61 = arith.constant 0 : i32
      %dma_start3A_62 = tpu.memref_slice %arg10[%add3A_29, %dma_start3A_61] : memref<10240x128xf32, #tpu.memory_space<vmem_shared>> -> memref<80x128xf32, #tpu.memory_space<vmem_shared>>
      %dma_start3A_63 = arith.constant 0 : i32
      %dma_start3A_64 = tpu.memref_slice %arg10[%add3A_29, %dma_start3A_63] : memref<10240x128xf32, #tpu.memory_space<vmem_shared>> -> memref<80x128xf32, #tpu.memory_space<vmem_shared>>
      tpu.enqueue_dma source(%arg8 : memref<80x128xf32, #tpu.memory_space<vmem>>) target(%dma_start3A_64 : memref<80x128xf32, #tpu.memory_space<vmem_shared>>) target_semaphore(%run_scoped3A : memref<!tpu.dma_semaphore, #tpu.memory_space<semaphore_mem>>)
      %dma_wait3A_65 = arith.constant 0 : i32
      %dma_wait3A_66 = tpu.memref_slice %arg10[%add3A_29, %dma_wait3A_65] : memref<10240x128xf32, #tpu.memory_space<vmem_shared>> -> memref<80x128xf32, #tpu.memory_space<vmem_shared>>
      %dma_wait3A_67 = arith.constant 0 : i32
      %dma_wait3A_68 = tpu.memref_slice %arg10[%add3A_29, %dma_wait3A_67] : memref<10240x128xf32, #tpu.memory_space<vmem_shared>> -> memref<80x128xf32, #tpu.memory_space<vmem_shared>>
      tpu.wait_dma2 semaphore(%run_scoped3A : memref<!tpu.dma_semaphore, #tpu.memory_space<semaphore_mem>>) src(%arg8 : memref<80x128xf32, #tpu.memory_space<vmem>>) dst(%dma_wait3A_68 : memref<80x128xf32, #tpu.memory_space<vmem_shared>>)
      tpu.yield
    }) : () -> ()
    %mul3A_30 = arith.constant 640 : i32
    %mul3A_31 = arith.muli %arg1, %mul3A_30 : i32
    %add3A_32 = arith.constant 400 : i32
    %add3A_33 = arith.addi %mul3A_31, %add3A_32 : i32
    "tpu.region"() ({
      %run_scoped3A = tpu.sem_alloc : memref<!tpu.dma_semaphore, #tpu.memory_space<semaphore_mem>>
      %dma_start3A_61 = arith.constant 0 : i32
      %dma_start3A_62 = tpu.memref_slice %arg10[%add3A_33, %dma_start3A_61] : memref<10240x128xf32, #tpu.memory_space<vmem_shared>> -> memref<80x128xf32, #tpu.memory_space<vmem_shared>>
      %dma_start3A_63 = arith.constant 0 : i32
      %dma_start3A_64 = tpu.memref_slice %arg10[%add3A_33, %dma_start3A_63] : memref<10240x128xf32, #tpu.memory_space<vmem_shared>> -> memref<80x128xf32, #tpu.memory_space<vmem_shared>>
      tpu.enqueue_dma source(%arg8 : memref<80x128xf32, #tpu.memory_space<vmem>>) target(%dma_start3A_64 : memref<80x128xf32, #tpu.memory_space<vmem_shared>>) target_semaphore(%run_scoped3A : memref<!tpu.dma_semaphore, #tpu.memory_space<semaphore_mem>>)
      %dma_wait3A_65 = arith.constant 0 : i32
      %dma_wait3A_66 = tpu.memref_slice %arg10[%add3A_33, %dma_wait3A_65] : memref<10240x128xf32, #tpu.memory_space<vmem_shared>> -> memref<80x128xf32, #tpu.memory_space<vmem_shared>>
      %dma_wait3A_67 = arith.constant 0 : i32
      %dma_wait3A_68 = tpu.memref_slice %arg10[%add3A_33, %dma_wait3A_67] : memref<10240x128xf32, #tpu.memory_space<vmem_shared>> -> memref<80x128xf32, #tpu.memory_space<vmem_shared>>
      tpu.wait_dma2 semaphore(%run_scoped3A : memref<!tpu.dma_semaphore, #tpu.memory_space<semaphore_mem>>) src(%arg8 : memref<80x128xf32, #tpu.memory_space<vmem>>) dst(%dma_wait3A_68 : memref<80x128xf32, #tpu.memory_space<vmem_shared>>)
      tpu.yield
    }) : () -> ()
    %mul3A_34 = arith.constant 640 : i32
    %mul3A_35 = arith.muli %arg1, %mul3A_34 : i32
    %add3A_36 = arith.constant 480 : i32
    %add3A_37 = arith.addi %mul3A_35, %add3A_36 : i32
    "tpu.region"() ({
      %run_scoped3A = tpu.sem_alloc : memref<!tpu.dma_semaphore, #tpu.memory_space<semaphore_mem>>
      %dma_start3A_61 = arith.constant 0 : i32
      %dma_start3A_62 = tpu.memref_slice %arg10[%add3A_37, %dma_start3A_61] : memref<10240x128xf32, #tpu.memory_space<vmem_shared>> -> memref<80x128xf32, #tpu.memory_space<vmem_shared>>
      %dma_start3A_63 = arith.constant 0 : i32
      %dma_start3A_64 = tpu.memref_slice %arg10[%add3A_37, %dma_start3A_63] : memref<10240x128xf32, #tpu.memory_space<vmem_shared>> -> memref<80x128xf32, #tpu.memory_space<vmem_shared>>
      tpu.enqueue_dma source(%arg8 : memref<80x128xf32, #tpu.memory_space<vmem>>) target(%dma_start3A_64 : memref<80x128xf32, #tpu.memory_space<vmem_shared>>) target_semaphore(%run_scoped3A : memref<!tpu.dma_semaphore, #tpu.memory_space<semaphore_mem>>)
      %dma_wait3A_65 = arith.constant 0 : i32
      %dma_wait3A_66 = tpu.memref_slice %arg10[%add3A_37, %dma_wait3A_65] : memref<10240x128xf32, #tpu.memory_space<vmem_shared>> -> memref<80x128xf32, #tpu.memory_space<vmem_shared>>
      %dma_wait3A_67 = arith.constant 0 : i32
      %dma_wait3A_68 = tpu.memref_slice %arg10[%add3A_37, %dma_wait3A_67] : memref<10240x128xf32, #tpu.memory_space<vmem_shared>> -> memref<80x128xf32, #tpu.memory_space<vmem_shared>>
      tpu.wait_dma2 semaphore(%run_scoped3A : memref<!tpu.dma_semaphore, #tpu.memory_space<semaphore_mem>>) src(%arg8 : memref<80x128xf32, #tpu.memory_space<vmem>>) dst(%dma_wait3A_68 : memref<80x128xf32, #tpu.memory_space<vmem_shared>>)
      tpu.yield
    }) : () -> ()
    %mul3A_38 = arith.constant 640 : i32
    %mul3A_39 = arith.muli %arg1, %mul3A_38 : i32
    %add3A_40 = arith.constant 560 : i32
    %add3A_41 = arith.addi %mul3A_39, %add3A_40 : i32
    "tpu.region"() ({
      %run_scoped3A = tpu.sem_alloc : memref<!tpu.dma_semaphore, #tpu.memory_space<semaphore_mem>>
      %dma_start3A_61 = arith.constant 0 : i32
      %dma_start3A_62 = tpu.memref_slice %arg10[%add3A_41, %dma_start3A_61] : memref<10240x128xf32, #tpu.memory_space<vmem_shared>> -> memref<80x128xf32, #tpu.memory_space<vmem_shared>>
      %dma_start3A_63 = arith.constant 0 : i32
      %dma_start3A_64 = tpu.memref_slice %arg10[%add3A_41, %dma_start3A_63] : memref<10240x128xf32, #tpu.memory_space<vmem_shared>> -> memref<80x128xf32, #tpu.memory_space<vmem_shared>>
      tpu.enqueue_dma source(%arg8 : memref<80x128xf32, #tpu.memory_space<vmem>>) target(%dma_start3A_64 : memref<80x128xf32, #tpu.memory_space<vmem_shared>>) target_semaphore(%run_scoped3A : memref<!tpu.dma_semaphore, #tpu.memory_space<semaphore_mem>>)
      %dma_wait3A_65 = arith.constant 0 : i32
      %dma_wait3A_66 = tpu.memref_slice %arg10[%add3A_41, %dma_wait3A_65] : memref<10240x128xf32, #tpu.memory_space<vmem_shared>> -> memref<80x128xf32, #tpu.memory_space<vmem_shared>>
      %dma_wait3A_67 = arith.constant 0 : i32
      %dma_wait3A_68 = tpu.memref_slice %arg10[%add3A_41, %dma_wait3A_67] : memref<10240x128xf32, #tpu.memory_space<vmem_shared>> -> memref<80x128xf32, #tpu.memory_space<vmem_shared>>
      tpu.wait_dma2 semaphore(%run_scoped3A : memref<!tpu.dma_semaphore, #tpu.memory_space<semaphore_mem>>) src(%arg8 : memref<80x128xf32, #tpu.memory_space<vmem>>) dst(%dma_wait3A_68 : memref<80x128xf32, #tpu.memory_space<vmem_shared>>)
      tpu.yield
    }) : () -> ()
    %barrier3A = arith.constant 0 : index
    tpu.barrier barrier_id(%barrier3A)
    %dma_start3A = arith.constant 0 : i32
    %dma_start3A_42 = tpu.memref_slice %arg6[%dma_start3A] : memref<10000xi32, #tpu.memory_space<vmem>> -> memref<80xi32, #tpu.memory_space<vmem>>
    %dma_start3A_43 = arith.constant 0 : i32
    %dma_start3A_44 = arith.constant 0 : i32
    %dma_start3A_45 = tpu.memref_slice %arg4[%dma_start3A_43, %dma_start3A_44] : memref<10000x128xf32, #tpu.memory_space<hbm>> -> memref<10000x128xf32, #tpu.memory_space<hbm>>
    tpu.enqueue_indirect_dma source(%dma_start3A_45 : memref<10000x128xf32, #tpu.memory_space<hbm>>) target(%arg8 : memref<80x128xf32, #tpu.memory_space<vmem>>) offsets(%dma_start3A_42 : memref<80xi32, #tpu.memory_space<vmem>>) semaphore(%arg11 : memref<!tpu.dma_semaphore, #tpu.memory_space<semaphore_mem>>)
    %scan3A_46 = arith.constant 0 : i32
    %scan3A_47 = arith.constant 0 : i32
    %scan3A_48 = arith.constant 62 : i32
    %scan3A_49 = arith.addi %scan3A_47, %scan3A_48 : i32
    %scan3A_50 = arith.constant 1 : i32
    scf.for %scan3A_61 = %scan3A_47 to %scan3A_49 step %scan3A_50  : i32 {
      %mul3A_62 = arith.constant 2 : i32
      %mul3A_63 = arith.muli %mul3A_62, %scan3A_61 : i32
      %add3A_64 = arith.constant 1 : i32
      %add3A_65 = arith.addi %mul3A_63, %add3A_64 : i32
      %mul3A_66 = arith.constant 80 : i32
      %mul3A_67 = arith.muli %add3A_65, %mul3A_66 : i32
      %dma_start3A_68 = tpu.memref_slice %arg6[%mul3A_67] : memref<10000xi32, #tpu.memory_space<vmem>> -> memref<80xi32, #tpu.memory_space<vmem>>
      %dma_start3A_69 = arith.constant 0 : i32
      %dma_start3A_70 = arith.constant 0 : i32
      %dma_start3A_71 = tpu.memref_slice %arg4[%dma_start3A_69, %dma_start3A_70] : memref<10000x128xf32, #tpu.memory_space<hbm>> -> memref<10000x128xf32, #tpu.memory_space<hbm>>
      tpu.enqueue_indirect_dma source(%dma_start3A_71 : memref<10000x128xf32, #tpu.memory_space<hbm>>) target(%arg9 : memref<80x128xf32, #tpu.memory_space<vmem>>) offsets(%dma_start3A_68 : memref<80xi32, #tpu.memory_space<vmem>>) semaphore(%arg12 : memref<!tpu.dma_semaphore, #tpu.memory_space<semaphore_mem>>)
      %mul3A_72 = arith.constant 80 : i32
      %mul3A_73 = arith.muli %mul3A_63, %mul3A_72 : i32
      %dma_wait3A_74 = tpu.memref_slice %arg6[%mul3A_73] : memref<10000xi32, #tpu.memory_space<vmem>> -> memref<80xi32, #tpu.memory_space<vmem>>
      %dma_wait3A_75 = arith.constant 0 : i32
      %dma_wait3A_76 = arith.constant 0 : i32
      %dma_wait3A_77 = tpu.memref_slice %arg4[%dma_wait3A_75, %dma_wait3A_76] : memref<10000x128xf32, #tpu.memory_space<hbm>> -> memref<10000x128xf32, #tpu.memory_space<hbm>>
      tpu.wait_indirect_dma semaphore(%arg11 : memref<!tpu.dma_semaphore, #tpu.memory_space<semaphore_mem>>) src(%dma_wait3A_77 : memref<10000x128xf32, #tpu.memory_space<hbm>>) dst(%arg8 : memref<80x128xf32, #tpu.memory_space<vmem>>)
      %mul3A_78 = arith.constant 80 : i32
      %mul3A_79 = arith.muli %mul3A_63, %mul3A_78 : i32
      "tpu.region"() ({
        %run_scoped3A = tpu.sem_alloc : memref<!tpu.dma_semaphore, #tpu.memory_space<semaphore_mem>>
        %dma_start3A_100 = tpu.memref_slice %arg7[%mul3A_79] : memref<10000xi32, #tpu.memory_space<vmem>> -> memref<80xi32, #tpu.memory_space<vmem>>
        %dma_start3A_101 = arith.constant 0 : i32
        %dma_start3A_102 = arith.constant 0 : i32
        %dma_start3A_103 = tpu.memref_slice %arg10[%dma_start3A_101, %dma_start3A_102] : memref<10240x128xf32, #tpu.memory_space<vmem_shared>> -> memref<10240x128xf32, #tpu.memory_space<vmem_shared>>
        tpu.enqueue_indirect_dma source(%arg8 : memref<80x128xf32, #tpu.memory_space<vmem>>) target(%dma_start3A_103 : memref<10240x128xf32, #tpu.memory_space<vmem_shared>>) offsets(%dma_start3A_100 : memref<80xi32, #tpu.memory_space<vmem>>) semaphore(%run_scoped3A : memref<!tpu.dma_semaphore, #tpu.memory_space<semaphore_mem>>) {add = true}
        %dma_wait3A_104 = tpu.memref_slice %arg7[%mul3A_79] : memref<10000xi32, #tpu.memory_space<vmem>> -> memref<80xi32, #tpu.memory_space<vmem>>
        %dma_wait3A_105 = arith.constant 0 : i32
        %dma_wait3A_106 = arith.constant 0 : i32
        %dma_wait3A_107 = tpu.memref_slice %arg10[%dma_wait3A_105, %dma_wait3A_106] : memref<10240x128xf32, #tpu.memory_space<vmem_shared>> -> memref<10240x128xf32, #tpu.memory_space<vmem_shared>>
        tpu.wait_indirect_dma semaphore(%run_scoped3A : memref<!tpu.dma_semaphore, #tpu.memory_space<semaphore_mem>>) src(%arg8 : memref<80x128xf32, #tpu.memory_space<vmem>>) dst(%dma_wait3A_107 : memref<10240x128xf32, #tpu.memory_space<vmem_shared>>)
        tpu.yield
      }) : () -> ()
      %add3A_80 = arith.constant 2 : i32
      %add3A_81 = arith.addi %mul3A_63, %add3A_80 : i32
      %mul3A_82 = arith.constant 80 : i32
      %mul3A_83 = arith.muli %add3A_81, %mul3A_82 : i32
      %dma_start3A_84 = tpu.memref_slice %arg6[%mul3A_83] : memref<10000xi32, #tpu.memory_space<vmem>> -> memref<80xi32, #tpu.memory_space<vmem>>
      %dma_start3A_85 = arith.constant 0 : i32
      %dma_start3A_86 = arith.constant 0 : i32
      %dma_start3A_87 = tpu.memref_slice %arg4[%dma_start3A_85, %dma_start3A_86] : memref<10000x128xf32, #tpu.memory_space<hbm>> -> memref<10000x128xf32, #tpu.memory_space<hbm>>
      tpu.enqueue_indirect_dma source(%dma_start3A_87 : memref<10000x128xf32, #tpu.memory_space<hbm>>) target(%arg8 : memref<80x128xf32, #tpu.memory_space<vmem>>) offsets(%dma_start3A_84 : memref<80xi32, #tpu.memory_space<vmem>>) semaphore(%arg11 : memref<!tpu.dma_semaphore, #tpu.memory_space<semaphore_mem>>)
      %add3A_88 = arith.constant 1 : i32
      %add3A_89 = arith.addi %mul3A_63, %add3A_88 : i32
      %mul3A_90 = arith.constant 80 : i32
      %mul3A_91 = arith.muli %add3A_89, %mul3A_90 : i32
      %dma_wait3A_92 = tpu.memref_slice %arg6[%mul3A_91] : memref<10000xi32, #tpu.memory_space<vmem>> -> memref<80xi32, #tpu.memory_space<vmem>>
      %dma_wait3A_93 = arith.constant 0 : i32
      %dma_wait3A_94 = arith.constant 0 : i32
      %dma_wait3A_95 = tpu.memref_slice %arg4[%dma_wait3A_93, %dma_wait3A_94] : memref<10000x128xf32, #tpu.memory_space<hbm>> -> memref<10000x128xf32, #tpu.memory_space<hbm>>
      tpu.wait_indirect_dma semaphore(%arg12 : memref<!tpu.dma_semaphore, #tpu.memory_space<semaphore_mem>>) src(%dma_wait3A_95 : memref<10000x128xf32, #tpu.memory_space<hbm>>) dst(%arg9 : memref<80x128xf32, #tpu.memory_space<vmem>>)
      %add3A_96 = arith.constant 1 : i32
      %add3A_97 = arith.addi %mul3A_63, %add3A_96 : i32
      %mul3A_98 = arith.constant 80 : i32
      %mul3A_99 = arith.muli %add3A_97, %mul3A_98 : i32
      "tpu.region"() ({
        %run_scoped3A = tpu.sem_alloc : memref<!tpu.dma_semaphore, #tpu.memory_space<semaphore_mem>>
        %dma_start3A_100 = tpu.memref_slice %arg7[%mul3A_99] : memref<10000xi32, #tpu.memory_space<vmem>> -> memref<80xi32, #tpu.memory_space<vmem>>
        %dma_start3A_101 = arith.constant 0 : i32
        %dma_start3A_102 = arith.constant 0 : i32
        %dma_start3A_103 = tpu.memref_slice %arg10[%dma_start3A_101, %dma_start3A_102] : memref<10240x128xf32, #tpu.memory_space<vmem_shared>> -> memref<10240x128xf32, #tpu.memory_space<vmem_shared>>
        tpu.enqueue_indirect_dma source(%arg9 : memref<80x128xf32, #tpu.memory_space<vmem>>) target(%dma_start3A_103 : memref<10240x128xf32, #tpu.memory_space<vmem_shared>>) offsets(%dma_start3A_100 : memref<80xi32, #tpu.memory_space<vmem>>) semaphore(%run_scoped3A : memref<!tpu.dma_semaphore, #tpu.memory_space<semaphore_mem>>) {add = true}
        %dma_wait3A_104 = tpu.memref_slice %arg7[%mul3A_99] : memref<10000xi32, #tpu.memory_space<vmem>> -> memref<80xi32, #tpu.memory_space<vmem>>
        %dma_wait3A_105 = arith.constant 0 : i32
        %dma_wait3A_106 = arith.constant 0 : i32
        %dma_wait3A_107 = tpu.memref_slice %arg10[%dma_wait3A_105, %dma_wait3A_106] : memref<10240x128xf32, #tpu.memory_space<vmem_shared>> -> memref<10240x128xf32, #tpu.memory_space<vmem_shared>>
        tpu.wait_indirect_dma semaphore(%run_scoped3A : memref<!tpu.dma_semaphore, #tpu.memory_space<semaphore_mem>>) src(%arg9 : memref<80x128xf32, #tpu.memory_space<vmem>>) dst(%dma_wait3A_107 : memref<10240x128xf32, #tpu.memory_space<vmem_shared>>)
        tpu.yield
      }) : () -> ()
    }
    %scan3A_51 = arith.constant 62 : i32
    %dma_wait3A = arith.constant 9920 : i32
    %dma_wait3A_52 = tpu.memref_slice %arg6[%dma_wait3A] : memref<10000xi32, #tpu.memory_space<vmem>> -> memref<80xi32, #tpu.memory_space<vmem>>
    %dma_wait3A_53 = arith.constant 0 : i32
    %dma_wait3A_54 = arith.constant 0 : i32
    %dma_wait3A_55 = tpu.memref_slice %arg4[%dma_wait3A_53, %dma_wait3A_54] : memref<10000x128xf32, #tpu.memory_space<hbm>> -> memref<10000x128xf32, #tpu.memory_space<hbm>>
    tpu.wait_indirect_dma semaphore(%arg11 : memref<!tpu.dma_semaphore, #tpu.memory_space<semaphore_mem>>) src(%dma_wait3A_55 : memref<10000x128xf32, #tpu.memory_space<hbm>>) dst(%arg8 : memref<80x128xf32, #tpu.memory_space<vmem>>)
    "tpu.region"() ({
      %run_scoped3A = tpu.sem_alloc : memref<!tpu.dma_semaphore, #tpu.memory_space<semaphore_mem>>
      %dma_start3A_61 = arith.constant 9920 : i32
      %dma_start3A_62 = tpu.memref_slice %arg7[%dma_start3A_61] : memref<10000xi32, #tpu.memory_space<vmem>> -> memref<80xi32, #tpu.memory_space<vmem>>
      %dma_start3A_63 = arith.constant 0 : i32
      %dma_start3A_64 = arith.constant 0 : i32
      %dma_start3A_65 = tpu.memref_slice %arg10[%dma_start3A_63, %dma_start3A_64] : memref<10240x128xf32, #tpu.memory_space<vmem_shared>> -> memref<10240x128xf32, #tpu.memory_space<vmem_shared>>
      tpu.enqueue_indirect_dma source(%arg8 : memref<80x128xf32, #tpu.memory_space<vmem>>) target(%dma_start3A_65 : memref<10240x128xf32, #tpu.memory_space<vmem_shared>>) offsets(%dma_start3A_62 : memref<80xi32, #tpu.memory_space<vmem>>) semaphore(%run_scoped3A : memref<!tpu.dma_semaphore, #tpu.memory_space<semaphore_mem>>) {add = true}
      %dma_wait3A_66 = arith.constant 9920 : i32
      %dma_wait3A_67 = tpu.memref_slice %arg7[%dma_wait3A_66] : memref<10000xi32, #tpu.memory_space<vmem>> -> memref<80xi32, #tpu.memory_space<vmem>>
      %dma_wait3A_68 = arith.constant 0 : i32
      %dma_wait3A_69 = arith.constant 0 : i32
      %dma_wait3A_70 = tpu.memref_slice %arg10[%dma_wait3A_68, %dma_wait3A_69] : memref<10240x128xf32, #tpu.memory_space<vmem_shared>> -> memref<10240x128xf32, #tpu.memory_space<vmem_shared>>
      tpu.wait_indirect_dma semaphore(%run_scoped3A : memref<!tpu.dma_semaphore, #tpu.memory_space<semaphore_mem>>) src(%arg8 : memref<80x128xf32, #tpu.memory_space<vmem>>) dst(%dma_wait3A_70 : memref<10240x128xf32, #tpu.memory_space<vmem_shared>>)
      tpu.yield
    }) : () -> ()
    %barrier3A_56 = arith.constant 0 : index
    tpu.barrier barrier_id(%barrier3A_56)
    %mul3A_57 = arith.constant 640 : i32
    %mul3A_58 = arith.muli %arg1, %mul3A_57 : i32
    %mul3A_59 = arith.constant 640 : i32
    %mul3A_60 = arith.muli %arg1, %mul3A_59 : i32
    "tpu.region"() ({
      %run_scoped3A = tpu.sem_alloc : memref<!tpu.dma_semaphore, #tpu.memory_space<semaphore_mem>>
      %dma_start3A_61 = arith.constant 0 : i32
      %dma_start3A_62 = tpu.memref_slice %arg5[%arg0, %mul3A_60, %dma_start3A_61] : memref<2x10240x128xf32, #tpu.memory_space<hbm>> -> memref<1x640x128xf32, #tpu.memory_space<hbm>>
      %dma_start3A_63 = tpu.memref_squeeze %dma_start3A_62 : memref<1x640x128xf32, #tpu.memory_space<hbm>> -> memref<640x128xf32, #tpu.memory_space<hbm>>
      %dma_start3A_64 = arith.constant 0 : i32
      %dma_start3A_65 = tpu.memref_slice %arg10[%mul3A_58, %dma_start3A_64] : memref<10240x128xf32, #tpu.memory_space<vmem_shared>> -> memref<640x128xf32, #tpu.memory_space<vmem_shared>>
      tpu.enqueue_dma source(%dma_start3A_65 : memref<640x128xf32, #tpu.memory_space<vmem_shared>>) target(%dma_start3A_63 : memref<640x128xf32, #tpu.memory_space<hbm>>) target_semaphore(%run_scoped3A : memref<!tpu.dma_semaphore, #tpu.memory_space<semaphore_mem>>)
      %dma_wait3A_66 = arith.constant 0 : i32
      %dma_wait3A_67 = tpu.memref_slice %arg5[%arg0, %mul3A_60, %dma_wait3A_66] : memref<2x10240x128xf32, #tpu.memory_space<hbm>> -> memref<1x640x128xf32, #tpu.memory_space<hbm>>
      %dma_wait3A_68 = tpu.memref_squeeze %dma_wait3A_67 : memref<1x640x128xf32, #tpu.memory_space<hbm>> -> memref<640x128xf32, #tpu.memory_space<hbm>>
      %dma_wait3A_69 = arith.constant 0 : i32
      %dma_wait3A_70 = tpu.memref_slice %arg10[%mul3A_58, %dma_wait3A_69] : memref<10240x128xf32, #tpu.memory_space<vmem_shared>> -> memref<640x128xf32, #tpu.memory_space<vmem_shared>>
      tpu.wait_dma2 semaphore(%run_scoped3A : memref<!tpu.dma_semaphore, #tpu.memory_space<semaphore_mem>>) src(%dma_wait3A_70 : memref<640x128xf32, #tpu.memory_space<vmem_shared>>) dst(%dma_wait3A_68 : memref<640x128xf32, #tpu.memory_space<hbm>>)
      tpu.yield
    }) : () -> ()
    return
  }
}

module attributes {stable_mosaic.version = 14 : i64} {
  func.func @_k4_body(%arg0: i32, %arg1: memref<2x2000x128xf32, #tpu.memory_space<vmem>>, %arg2: memref<2000x128xf32, #tpu.memory_space<vmem>>, %arg3: memref<2x2000x1xf32, #tpu.memory_space<vmem>>, %arg4: memref<1x128xf32, #tpu.memory_space<vmem>>, %arg5: memref<128x128xf32, #tpu.memory_space<vmem>>, %arg6: memref<2000x128xf32, #tpu.memory_space<vmem>>, %arg7: memref<2000x128xf32, #tpu.memory_space<vmem>>) attributes {dimension_semantics = [#tpu.dimension_semantics<arbitrary>], iteration_bounds = array<i64: 5>, scalar_prefetch = 0 : i64, scratch_operands = 0 : i64, tpu.core_type = #tpu.core_type<tc>, window_params = [{transform_indices = @transform_0, window_bounds = array<i64: 2, 2000, 128>}, {transform_indices = @transform_1, window_bounds = array<i64: 2000, 128>}, {transform_indices = @transform_2, window_bounds = array<i64: 2, 2000, 1>}, {pipeline_mode = #tpu.pipeline_mode<synchronous>, transform_indices = @transform_3, window_bounds = array<i64: 1, 128>}, {pipeline_mode = #tpu.pipeline_mode<synchronous>, transform_indices = @transform_4, window_bounds = array<i64: 128, 128>}, {transform_indices = @transform_5, window_bounds = array<i64: 2000, 128>}, {transform_indices = @transform_6, window_bounds = array<i64: 2000, 128>}]} {
    %get3A = arith.constant 0 : index
    %get3A_0 = arith.constant 0 : index
    %get3A_1 = arith.constant 0 : index
    %get3A_2 = vector.load %arg3[%get3A, %get3A_0, %get3A_1] : memref<2x2000x1xf32, #tpu.memory_space<vmem>>, vector<1x2000x1xf32>
    %get3A_3 = vector.shape_cast %get3A_2 : vector<1x2000x1xf32> to vector<2000x1xf32>
    %get3A_4 = arith.constant 1 : index
    %get3A_5 = arith.constant 0 : index
    %get3A_6 = arith.constant 0 : index
    %get3A_7 = vector.load %arg3[%get3A_4, %get3A_5, %get3A_6] : memref<2x2000x1xf32, #tpu.memory_space<vmem>>, vector<1x2000x1xf32>
    %get3A_8 = vector.shape_cast %get3A_7 : vector<1x2000x1xf32> to vector<2000x1xf32>
    %add3A = arith.addf %get3A_3, %get3A_8 : vector<2000x1xf32>
    %add3A_9 = arith.constant 1.000000e+00 : f32
    %add3A_10 = vector.broadcast %add3A_9 : f32 to vector<2000x1xf32>
    %add3A_11 = arith.addf %add3A, %add3A_10 : vector<2000x1xf32>
    %sqrt3A = math.sqrt %add3A_11 : vector<2000x1xf32>
    %div3A = arith.constant 1.000000e+00 : f32
    %div3A_12 = vector.broadcast %div3A : f32 to vector<2000x1xf32>
    %div3A_13 = arith.divf %div3A_12, %sqrt3A : vector<2000x1xf32>
    %div3A_14 = arith.constant 1.000000e+00 : f32
    %div3A_15 = vector.broadcast %div3A_14 : f32 to vector<2000x1xf32>
    %div3A_16 = arith.divf %div3A_15, %add3A_11 : vector<2000x1xf32>
    %get3A_17 = arith.constant 0 : index
    %get3A_18 = arith.constant 0 : index
    %get3A_19 = arith.constant 0 : index
    %get3A_20 = vector.load %arg1[%get3A_17, %get3A_18, %get3A_19] : memref<2x2000x128xf32, #tpu.memory_space<vmem>>, vector<1x2000x128xf32>
    %get3A_21 = vector.shape_cast %get3A_20 : vector<1x2000x128xf32> to vector<2000x128xf32>
    %get3A_22 = arith.constant 1 : index
    %get3A_23 = arith.constant 0 : index
    %get3A_24 = arith.constant 0 : index
    %get3A_25 = vector.load %arg1[%get3A_22, %get3A_23, %get3A_24] : memref<2x2000x128xf32, #tpu.memory_space<vmem>>, vector<1x2000x128xf32>
    %get3A_26 = vector.shape_cast %get3A_25 : vector<1x2000x128xf32> to vector<2000x128xf32>
    %add3A_27 = arith.addf %get3A_21, %get3A_26 : vector<2000x128xf32>
    %mul3A = vector.broadcast %div3A_13 : vector<2000x1xf32> to vector<2000x128xf32>
    %mul3A_28 = arith.mulf %add3A_27, %mul3A : vector<2000x128xf32>
    %get3A_29 = arith.constant 0 : index
    %get3A_30 = arith.constant 0 : index
    %get3A_31 = vector.load %arg2[%get3A_29, %get3A_30] : memref<2000x128xf32, #tpu.memory_space<vmem>>, vector<2000x128xf32>
    %add3A_32 = arith.addf %mul3A_28, %get3A_31 : vector<2000x128xf32>
    %get3A_33 = arith.constant 0 : index
    %get3A_34 = arith.constant 0 : index
    %get3A_35 = vector.load %arg4[%get3A_33, %get3A_34] : memref<1x128xf32, #tpu.memory_space<vmem>>, vector<1x128xf32>
    %add3A_36 = vector.broadcast %get3A_35 : vector<1x128xf32> to vector<2000x128xf32>
    %add3A_37 = arith.addf %add3A_32, %add3A_36 : vector<2000x128xf32>
    %get3A_38 = arith.constant 0 : index
    %get3A_39 = arith.constant 0 : index
    %get3A_40 = vector.load %arg5[%get3A_38, %get3A_39] : memref<128x128xf32, #tpu.memory_space<vmem>>, vector<128x128xf32>
    %dot_general3A = arith.constant dense<0.000000e+00> : vector<2000x128xf32>
    %dot_general3A_41 = tpu.matmul %add3A_37, %get3A_40, %dot_general3A {dimension_numbers = #tpu.dot_dimension_numbers<[1], [0], [0], [1], [0, 0, 1, 1], [], []>, transpose_lhs_hint = false} : vector<2000x128xf32>, vector<128x128xf32>, vector<2000x128xf32> -> vector<2000x128xf32>
    %mul3A_42 = vector.broadcast %div3A_13 : vector<2000x1xf32> to vector<2000x128xf32>
    %mul3A_43 = arith.mulf %dot_general3A_41, %mul3A_42 : vector<2000x128xf32>
    %swap3A = arith.constant 0 : index
    %swap3A_44 = arith.constant 0 : index
    %swap3A_45 = vector.load %arg6[%swap3A, %swap3A_44] : memref<2000x128xf32, #tpu.memory_space<vmem>>, vector<2000x128xf32>
    tpu.vector_store %arg6[%swap3A, %swap3A_44], %mul3A_43 {strides = array<i32>} : memref<2000x128xf32, #tpu.memory_space<vmem>>, vector<2000x128xf32>,
    %mul3A_46 = vector.broadcast %div3A_16 : vector<2000x1xf32> to vector<2000x128xf32>
    %mul3A_47 = arith.mulf %dot_general3A_41, %mul3A_46 : vector<2000x128xf32>
    %swap3A_48 = arith.constant 0 : index
    %swap3A_49 = arith.constant 0 : index
    %swap3A_50 = vector.load %arg7[%swap3A_48, %swap3A_49] : memref<2000x128xf32, #tpu.memory_space<vmem>>, vector<2000x128xf32>
    tpu.vector_store %arg7[%swap3A_48, %swap3A_49], %mul3A_47 {strides = array<i32>} : memref<2000x128xf32, #tpu.memory_space<vmem>>, vector<2000x128xf32>,
    return
  }
  func.func @transform_0(%arg0: i32) -> (i32, i32, i32) {
    %c0_i32 = arith.constant 0 : i32
    %c0_i32_0 = arith.constant 0 : i32
    %c0_i32_1 = arith.constant 0 : i32
    return %c0_i32, %arg0, %c0_i32_0 : i32, i32, i32
  }
  func.func @transform_1(%arg0: i32) -> (i32, i32) {
    %c0_i32 = arith.constant 0 : i32
    %c0_i32_0 = arith.constant 0 : i32
    return %arg0, %c0_i32 : i32, i32
  }
  func.func @transform_2(%arg0: i32) -> (i32, i32, i32) {
    %c0_i32 = arith.constant 0 : i32
    %c0_i32_0 = arith.constant 0 : i32
    %c0_i32_1 = arith.constant 0 : i32
    return %c0_i32, %arg0, %c0_i32_0 : i32, i32, i32
  }
  func.func @transform_3(%arg0: i32) -> (i32, i32) {
    %c0_i32 = arith.constant 0 : i32
    %c0_i32_0 = arith.constant 0 : i32
    %c0_i32_1 = arith.constant 0 : i32
    return %c0_i32, %c0_i32_0 : i32, i32
  }
  func.func @transform_4(%arg0: i32) -> (i32, i32) {
    %c0_i32 = arith.constant 0 : i32
    %c0_i32_0 = arith.constant 0 : i32
    %c0_i32_1 = arith.constant 0 : i32
    return %c0_i32, %c0_i32_0 : i32, i32
  }
  func.func @transform_5(%arg0: i32) -> (i32, i32) {
    %c0_i32 = arith.constant 0 : i32
    %c0_i32_0 = arith.constant 0 : i32
    return %arg0, %c0_i32 : i32, i32
  }
  func.func @transform_6(%arg0: i32) -> (i32, i32) {
    %c0_i32 = arith.constant 0 : i32
    %c0_i32_0 = arith.constant 0 : i32
    return %arg0, %c0_i32 : i32, i32
  }
}

module attributes {stable_mosaic.version = 14 : i64} {
  func.func @_k1_body(%arg0: i32, %arg1: memref<2000x128xf32, #tpu.memory_space<vmem>>, %arg2: memref<128x128xf32, #tpu.memory_space<vmem>>, %arg3: memref<1x128xf32, #tpu.memory_space<vmem>>, %arg4: memref<128x128xf32, #tpu.memory_space<vmem>>, %arg5: memref<2x2000x1xf32, #tpu.memory_space<vmem>>, %arg6: memref<2000x128xf32, #tpu.memory_space<vmem>>, %arg7: memref<2000x128xf32, #tpu.memory_space<vmem>>) attributes {dimension_semantics = [#tpu.dimension_semantics<arbitrary>], iteration_bounds = array<i64: 5>, scalar_prefetch = 0 : i64, scratch_operands = 0 : i64, tpu.core_type = #tpu.core_type<tc>, window_params = [{transform_indices = @transform_0, window_bounds = array<i64: 2000, 128>}, {pipeline_mode = #tpu.pipeline_mode<synchronous>, transform_indices = @transform_1, window_bounds = array<i64: 128, 128>}, {pipeline_mode = #tpu.pipeline_mode<synchronous>, transform_indices = @transform_2, window_bounds = array<i64: 1, 128>}, {pipeline_mode = #tpu.pipeline_mode<synchronous>, transform_indices = @transform_3, window_bounds = array<i64: 128, 128>}, {transform_indices = @transform_4, window_bounds = array<i64: 2, 2000, 1>}, {transform_indices = @transform_5, window_bounds = array<i64: 2000, 128>}, {transform_indices = @transform_6, window_bounds = array<i64: 2000, 128>}]} {
    %get3A = arith.constant 0 : index
    %get3A_0 = arith.constant 0 : index
    %get3A_1 = vector.load %arg1[%get3A, %get3A_0] : memref<2000x128xf32, #tpu.memory_space<vmem>>, vector<2000x128xf32>
    %get3A_2 = arith.constant 0 : index
    %get3A_3 = arith.constant 0 : index
    %get3A_4 = vector.load %arg2[%get3A_2, %get3A_3] : memref<128x128xf32, #tpu.memory_space<vmem>>, vector<128x128xf32>
    %dot_general3A = arith.constant dense<0.000000e+00> : vector<2000x128xf32>
    %dot_general3A_5 = tpu.matmul %get3A_1, %get3A_4, %dot_general3A {dimension_numbers = #tpu.dot_dimension_numbers<[1], [0], [0], [1], [0, 0, 1, 1], [], []>, transpose_lhs_hint = false} : vector<2000x128xf32>, vector<128x128xf32>, vector<2000x128xf32> -> vector<2000x128xf32>
    %get3A_6 = arith.constant 0 : index
    %get3A_7 = arith.constant 0 : index
    %get3A_8 = vector.load %arg3[%get3A_6, %get3A_7] : memref<1x128xf32, #tpu.memory_space<vmem>>, vector<1x128xf32>
    %add3A = vector.broadcast %get3A_8 : vector<1x128xf32> to vector<2000x128xf32>
    %add3A_9 = arith.addf %dot_general3A_5, %add3A : vector<2000x128xf32>
    %max3A = arith.constant 0.000000e+00 : f32
    %max3A_10 = vector.broadcast %max3A : f32 to vector<2000x128xf32>
    %max3A_11 = arith.maximumf %add3A_9, %max3A_10 : vector<2000x128xf32>
    %get3A_12 = arith.constant 0 : index
    %get3A_13 = arith.constant 0 : index
    %get3A_14 = vector.load %arg4[%get3A_12, %get3A_13] : memref<128x128xf32, #tpu.memory_space<vmem>>, vector<128x128xf32>
    %dot_general3A_15 = arith.constant dense<0.000000e+00> : vector<2000x128xf32>
    %dot_general3A_16 = tpu.matmul %max3A_11, %get3A_14, %dot_general3A_15 {dimension_numbers = #tpu.dot_dimension_numbers<[1], [0], [0], [1], [0, 0, 1, 1], [], []>, transpose_lhs_hint = false} : vector<2000x128xf32>, vector<128x128xf32>, vector<2000x128xf32> -> vector<2000x128xf32>
    %get3A_17 = arith.constant 0 : index
    %get3A_18 = arith.constant 0 : index
    %get3A_19 = arith.constant 0 : index
    %get3A_20 = vector.load %arg5[%get3A_17, %get3A_18, %get3A_19] : memref<2x2000x1xf32, #tpu.memory_space<vmem>>, vector<1x2000x1xf32>
    %get3A_21 = vector.shape_cast %get3A_20 : vector<1x2000x1xf32> to vector<2000x1xf32>
    %get3A_22 = arith.constant 1 : index
    %get3A_23 = arith.constant 0 : index
    %get3A_24 = arith.constant 0 : index
    %get3A_25 = vector.load %arg5[%get3A_22, %get3A_23, %get3A_24] : memref<2x2000x1xf32, #tpu.memory_space<vmem>>, vector<1x2000x1xf32>
    %get3A_26 = vector.shape_cast %get3A_25 : vector<1x2000x1xf32> to vector<2000x1xf32>
    %add3A_27 = arith.addf %get3A_21, %get3A_26 : vector<2000x1xf32>
    %add3A_28 = arith.constant 1.000000e+00 : f32
    %add3A_29 = vector.broadcast %add3A_28 : f32 to vector<2000x1xf32>
    %add3A_30 = arith.addf %add3A_27, %add3A_29 : vector<2000x1xf32>
    %sqrt3A = math.sqrt %add3A_30 : vector<2000x1xf32>
    %div3A = arith.constant 1.000000e+00 : f32
    %div3A_31 = vector.broadcast %div3A : f32 to vector<2000x1xf32>
    %div3A_32 = arith.divf %div3A_31, %sqrt3A : vector<2000x1xf32>
    %div3A_33 = arith.constant 1.000000e+00 : f32
    %div3A_34 = vector.broadcast %div3A_33 : f32 to vector<2000x1xf32>
    %div3A_35 = arith.divf %div3A_34, %add3A_30 : vector<2000x1xf32>
    %mul3A = vector.broadcast %div3A_32 : vector<2000x1xf32> to vector<2000x128xf32>
    %mul3A_36 = arith.mulf %dot_general3A_16, %mul3A : vector<2000x128xf32>
    %swap3A = arith.constant 0 : index
    %swap3A_37 = arith.constant 0 : index
    %swap3A_38 = vector.load %arg6[%swap3A, %swap3A_37] : memref<2000x128xf32, #tpu.memory_space<vmem>>, vector<2000x128xf32>
    tpu.vector_store %arg6[%swap3A, %swap3A_37], %mul3A_36 {strides = array<i32>} : memref<2000x128xf32, #tpu.memory_space<vmem>>, vector<2000x128xf32>,
    %mul3A_39 = vector.broadcast %div3A_35 : vector<2000x1xf32> to vector<2000x128xf32>
    %mul3A_40 = arith.mulf %dot_general3A_16, %mul3A_39 : vector<2000x128xf32>
    %swap3A_41 = arith.constant 0 : index
    %swap3A_42 = arith.constant 0 : index
    %swap3A_43 = vector.load %arg7[%swap3A_41, %swap3A_42] : memref<2000x128xf32, #tpu.memory_space<vmem>>, vector<2000x128xf32>
    tpu.vector_store %arg7[%swap3A_41, %swap3A_42], %mul3A_40 {strides = array<i32>} : memref<2000x128xf32, #tpu.memory_space<vmem>>, vector<2000x128xf32>,
    return
  }
  func.func @transform_0(%arg0: i32) -> (i32, i32) {
    %c0_i32 = arith.constant 0 : i32
    %c0_i32_0 = arith.constant 0 : i32
    return %arg0, %c0_i32 : i32, i32
  }
  func.func @transform_1(%arg0: i32) -> (i32, i32) {
    %c0_i32 = arith.constant 0 : i32
    %c0_i32_0 = arith.constant 0 : i32
    %c0_i32_1 = arith.constant 0 : i32
    return %c0_i32, %c0_i32_0 : i32, i32
  }
  func.func @transform_2(%arg0: i32) -> (i32, i32) {
    %c0_i32 = arith.constant 0 : i32
    %c0_i32_0 = arith.constant 0 : i32
    %c0_i32_1 = arith.constant 0 : i32
    return %c0_i32, %c0_i32_0 : i32, i32
  }
  func.func @transform_3(%arg0: i32) -> (i32, i32) {
    %c0_i32 = arith.constant 0 : i32
    %c0_i32_0 = arith.constant 0 : i32
    %c0_i32_1 = arith.constant 0 : i32
    return %c0_i32, %c0_i32_0 : i32, i32
  }
  func.func @transform_4(%arg0: i32) -> (i32, i32, i32) {
    %c0_i32 = arith.constant 0 : i32
    %c0_i32_0 = arith.constant 0 : i32
    %c0_i32_1 = arith.constant 0 : i32
    return %c0_i32, %arg0, %c0_i32_0 : i32, i32, i32
  }
  func.func @transform_5(%arg0: i32) -> (i32, i32) {
    %c0_i32 = arith.constant 0 : i32
    %c0_i32_0 = arith.constant 0 : i32
    return %arg0, %c0_i32 : i32, i32
  }
  func.func @transform_6(%arg0: i32) -> (i32, i32) {
    %c0_i32 = arith.constant 0 : i32
    %c0_i32_0 = arith.constant 0 : i32
    return %arg0, %c0_i32 : i32, i32
  }
}

module attributes {stable_mosaic.version = 14 : i64} {
  func.func @_k6_body(%arg0: i32, %arg1: memref<2x2000x128xf32, #tpu.memory_space<vmem>>, %arg2: memref<2000x128xf32, #tpu.memory_space<vmem>>, %arg3: memref<2x2000x1xf32, #tpu.memory_space<vmem>>, %arg4: memref<1x128xf32, #tpu.memory_space<vmem>>, %arg5: memref<128x2xf32, #tpu.memory_space<vmem>>, %arg6: memref<1x2xf32, #tpu.memory_space<vmem>>, %arg7: memref<2000x2xf32, #tpu.memory_space<vmem>>) attributes {dimension_semantics = [#tpu.dimension_semantics<arbitrary>], iteration_bounds = array<i64: 5>, scalar_prefetch = 0 : i64, scratch_operands = 0 : i64, tpu.core_type = #tpu.core_type<tc>, window_params = [{transform_indices = @transform_0, window_bounds = array<i64: 2, 2000, 128>}, {transform_indices = @transform_1, window_bounds = array<i64: 2000, 128>}, {transform_indices = @transform_2, window_bounds = array<i64: 2, 2000, 1>}, {pipeline_mode = #tpu.pipeline_mode<synchronous>, transform_indices = @transform_3, window_bounds = array<i64: 1, 128>}, {pipeline_mode = #tpu.pipeline_mode<synchronous>, transform_indices = @transform_4, window_bounds = array<i64: 128, 2>}, {pipeline_mode = #tpu.pipeline_mode<synchronous>, transform_indices = @transform_5, window_bounds = array<i64: 1, 2>}, {transform_indices = @transform_6, window_bounds = array<i64: 2000, 2>}]} {
    %get3A = arith.constant 0 : index
    %get3A_0 = arith.constant 0 : index
    %get3A_1 = arith.constant 0 : index
    %get3A_2 = vector.load %arg3[%get3A, %get3A_0, %get3A_1] : memref<2x2000x1xf32, #tpu.memory_space<vmem>>, vector<1x2000x1xf32>
    %get3A_3 = vector.shape_cast %get3A_2 : vector<1x2000x1xf32> to vector<2000x1xf32>
    %get3A_4 = arith.constant 1 : index
    %get3A_5 = arith.constant 0 : index
    %get3A_6 = arith.constant 0 : index
    %get3A_7 = vector.load %arg3[%get3A_4, %get3A_5, %get3A_6] : memref<2x2000x1xf32, #tpu.memory_space<vmem>>, vector<1x2000x1xf32>
    %get3A_8 = vector.shape_cast %get3A_7 : vector<1x2000x1xf32> to vector<2000x1xf32>
    %add3A = arith.addf %get3A_3, %get3A_8 : vector<2000x1xf32>
    %add3A_9 = arith.constant 1.000000e+00 : f32
    %add3A_10 = vector.broadcast %add3A_9 : f32 to vector<2000x1xf32>
    %add3A_11 = arith.addf %add3A, %add3A_10 : vector<2000x1xf32>
    %sqrt3A = math.sqrt %add3A_11 : vector<2000x1xf32>
    %div3A = arith.constant 1.000000e+00 : f32
    %div3A_12 = vector.broadcast %div3A : f32 to vector<2000x1xf32>
    %div3A_13 = arith.divf %div3A_12, %sqrt3A : vector<2000x1xf32>
    %get3A_14 = arith.constant 0 : index
    %get3A_15 = arith.constant 0 : index
    %get3A_16 = arith.constant 0 : index
    %get3A_17 = vector.load %arg1[%get3A_14, %get3A_15, %get3A_16] : memref<2x2000x128xf32, #tpu.memory_space<vmem>>, vector<1x2000x128xf32>
    %get3A_18 = vector.shape_cast %get3A_17 : vector<1x2000x128xf32> to vector<2000x128xf32>
    %get3A_19 = arith.constant 1 : index
    %get3A_20 = arith.constant 0 : index
    %get3A_21 = arith.constant 0 : index
    %get3A_22 = vector.load %arg1[%get3A_19, %get3A_20, %get3A_21] : memref<2x2000x128xf32, #tpu.memory_space<vmem>>, vector<1x2000x128xf32>
    %get3A_23 = vector.shape_cast %get3A_22 : vector<1x2000x128xf32> to vector<2000x128xf32>
    %add3A_24 = arith.addf %get3A_18, %get3A_23 : vector<2000x128xf32>
    %mul3A = vector.broadcast %div3A_13 : vector<2000x1xf32> to vector<2000x128xf32>
    %mul3A_25 = arith.mulf %add3A_24, %mul3A : vector<2000x128xf32>
    %get3A_26 = arith.constant 0 : index
    %get3A_27 = arith.constant 0 : index
    %get3A_28 = vector.load %arg2[%get3A_26, %get3A_27] : memref<2000x128xf32, #tpu.memory_space<vmem>>, vector<2000x128xf32>
    %add3A_29 = arith.addf %mul3A_25, %get3A_28 : vector<2000x128xf32>
    %get3A_30 = arith.constant 0 : index
    %get3A_31 = arith.constant 0 : index
    %get3A_32 = vector.load %arg4[%get3A_30, %get3A_31] : memref<1x128xf32, #tpu.memory_space<vmem>>, vector<1x128xf32>
    %add3A_33 = vector.broadcast %get3A_32 : vector<1x128xf32> to vector<2000x128xf32>
    %add3A_34 = arith.addf %add3A_29, %add3A_33 : vector<2000x128xf32>
    %get3A_35 = arith.constant 0 : index
    %get3A_36 = arith.constant 0 : index
    %get3A_37 = vector.load %arg5[%get3A_35, %get3A_36] : memref<128x2xf32, #tpu.memory_space<vmem>>, vector<128x2xf32>
    %dot_general3A = arith.constant dense<0.000000e+00> : vector<2000x2xf32>
    %dot_general3A_38 = tpu.matmul %add3A_34, %get3A_37, %dot_general3A {dimension_numbers = #tpu.dot_dimension_numbers<[1], [0], [0], [1], [0, 0, 1, 1], [], []>, transpose_lhs_hint = false} : vector<2000x128xf32>, vector<128x2xf32>, vector<2000x2xf32> -> vector<2000x2xf32>
    %get3A_39 = arith.constant 0 : index
    %get3A_40 = arith.constant 0 : index
    %get3A_41 = vector.load %arg6[%get3A_39, %get3A_40] : memref<1x2xf32, #tpu.memory_space<vmem>>, vector<1x2xf32>
    %add3A_42 = vector.broadcast %get3A_41 : vector<1x2xf32> to vector<2000x2xf32>
    %add3A_43 = arith.addf %dot_general3A_38, %add3A_42 : vector<2000x2xf32>
    %swap3A = arith.constant 0 : index
    %swap3A_44 = arith.constant 0 : index
    %swap3A_45 = vector.load %arg7[%swap3A, %swap3A_44] : memref<2000x2xf32, #tpu.memory_space<vmem>>, vector<2000x2xf32>
    tpu.vector_store %arg7[%swap3A, %swap3A_44], %add3A_43 {strides = array<i32>} : memref<2000x2xf32, #tpu.memory_space<vmem>>, vector<2000x2xf32>,
    return
  }
  func.func @transform_0(%arg0: i32) -> (i32, i32, i32) {
    %c0_i32 = arith.constant 0 : i32
    %c0_i32_0 = arith.constant 0 : i32
    %c0_i32_1 = arith.constant 0 : i32
    return %c0_i32, %arg0, %c0_i32_0 : i32, i32, i32
  }
  func.func @transform_1(%arg0: i32) -> (i32, i32) {
    %c0_i32 = arith.constant 0 : i32
    %c0_i32_0 = arith.constant 0 : i32
    return %arg0, %c0_i32 : i32, i32
  }
  func.func @transform_2(%arg0: i32) -> (i32, i32, i32) {
    %c0_i32 = arith.constant 0 : i32
    %c0_i32_0 = arith.constant 0 : i32
    %c0_i32_1 = arith.constant 0 : i32
    return %c0_i32, %arg0, %c0_i32_0 : i32, i32, i32
  }
  func.func @transform_3(%arg0: i32) -> (i32, i32) {
    %c0_i32 = arith.constant 0 : i32
    %c0_i32_0 = arith.constant 0 : i32
    %c0_i32_1 = arith.constant 0 : i32
    return %c0_i32, %c0_i32_0 : i32, i32
  }
  func.func @transform_4(%arg0: i32) -> (i32, i32) {
    %c0_i32 = arith.constant 0 : i32
    %c0_i32_0 = arith.constant 0 : i32
    %c0_i32_1 = arith.constant 0 : i32
    return %c0_i32, %c0_i32_0 : i32, i32
  }
  func.func @transform_5(%arg0: i32) -> (i32, i32) {
    %c0_i32 = arith.constant 0 : i32
    %c0_i32_0 = arith.constant 0 : i32
    %c0_i32_1 = arith.constant 0 : i32
    return %c0_i32, %c0_i32_0 : i32, i32
  }
  func.func @transform_6(%arg0: i32) -> (i32, i32) {
    %c0_i32 = arith.constant 0 : i32
    %c0_i32_0 = arith.constant 0 : i32
    return %arg0, %c0_i32 : i32, i32
  }
}

</mosaic_0001>

<sc_bundles>
// kernel: _run.11.cloned.1.call-start
scs
__scs_entry_jumppad:
0x0: {  	(pc) =	sbr.rel $0x88, $3  }
0x1: {  	(tag) =	ssettag $0x0;
	lr =	simm.s32 $0x1  }
0x2: {  	[smem:$0x3F97] =	sst lr;
	_ =	strace $0xD0000000  }
0x3: {  	_ = 	snop  }
0x4: {  	_ = 	snop  }
0x5: {  	_ = 	snop  }
0x6: {  	_ = 	snop  }
0x7: {  	_ = 	snop  }
__scs_overlays_trampoline_lowered:
0x8: {  	[smem:$0x3FA6] =	sst s0  }
0x9: {  	[smem:$0x3FA7] =	sst s1  }
0xa: {  	[smem:$0x3FA8] =	sst s2  }
0xb: {  	[smem:$0x3FA9] =	sst s3  }
0xc: {  	[smem:$0x3FAA] =	sst s4  }
0xd: {  	[smem:$0x3FAB] =	sst s5  }
0xe: {  	[smem:$0x3FAC] =	sst s6  }
0xf: {  	[smem:$0x3FAD] =	sst s7  }
0x10: {  	[smem:$0x3FAE] =	sst s8  }
0x11: {  	[smem:$0x3FAF] =	sst s9;
	s0 =	simm.s32 @!p0 $0x0  }
0x12: {  	s1 =	sld [smem:$0x3F95];
	s0 =	simm.s32 @p0 $0x1  }
0x13: {  	[smem:$0x3FB0] =	sst s0;
	s0 =	simm.s32 @!p1 $0x0  }
0x14: {  	s2 =	sld [smem:$0x3F94];
	s0 =	simm.s32 @p1 $0x1  }
0x15: {  	[smem:$0x3FB1] =	sst s0;
	s0 =	simm.s32 @!p2 $0x0  }
0x16: {  	s3 =	sld [smem:$0x3FDB];
	s0 =	simm.s32 @p2 $0x1  }
0x17: {  	s4 =	simm.s32 $0x1BF5;
	[smem:$0x3FB3] =	sst s0  }
0x18: {  	s0 =	sld [smem:$0x3F96];
	_ =	swait.ge [sflag:s4], $0x0  }
0x19: {  	s7 =	sld [smem:$0x3F97]  }
0x1a: {  	s8 =	sadd.s32 $0xFFFFE003, lr  }
0x1b: {  	s9 =	sadd.s32 $0xFFFFFEF7, lr;
	s5 =	simm.s32 $0xFFFFFFFF;
	p2 =	slt.u32 s8, $0xFFFFF086  }
0x1c: {  	p1 =	slt.u32 s9, $0xF7A;
	s5 =	simm.s32 @!p2 $0x0  }
0x1d: {  	s5 =	simm.s32 @p1 $0x1;
	p0 =	seq.s32 s7, s2  }
0x1e: {  	s7 =	smul.u32 @!p0 $0xF7A, s2;
	p2 =	seq.s32 @!p0 s5, $0x0  }
0x1f: {  	s9 =	smul.u32 $0xF7A, s1;
	s8 =	simm.s32 @!p0 $0x1BF5;
	p2 =	por !p2, p0  }
0x20: {  	[sflag:s8] =	ssyncset.s32 @!p0 $0xFFFFF086;
	s6 =	sadd.s32 @!p0 s3, s7;
	s7 =	simm.s32 @!p0 $0x108  }
0x21: {  	s3 =	sadd.s32 s3, s9;
	s6 =	sadd.s32 @!p0 $0x88, s6;
	s7 =	simm.s32 @p2 $0x1082  }
0x22: {  	[simem:s7], [sflag:s8] =	dma.local @!p0 [hbm:s6], $0xF7A  }
0x23: {  	s9 =	sor.u32 $0xD0000000, s2;
	s6 =	simm.s32 $0x108;
	_ =	swait.ge @!p0 [sflag:s8], $0x0  }
0x24: {  	s3 =	sadd.s32 $0x88, s3;
	s6 =	simm.s32 @!p1 $0x1082;
	[sflag:s4] =	ssyncset.s32 $0xFFFFF086  }
0x25: {  	[simem:s6], [sflag:s4] =	dma.local [hbm:s3], $0xF7A  }
0x26: {  	[smem:$0x3F97] =	sst s1;
	(tag) =	ssettag s2;
	_ =	strace s9  }
0x27: {  	s1 =	sld [smem:$0x3FA7]  }
0x28: {  	s2 =	sld [smem:$0x3FA8]  }
0x29: {  	s4 =	sld [smem:$0x3FAA]  }
0x2a: {  	p0 =	seq.s32 s5, $0x0;
	s5 =	sld [smem:$0x3FAB]  }
0x2b: {  	s6 =	sld [smem:$0x3FAC]  }
0x2c: {  	s7 =	sld [smem:$0x3FAD]  }
0x2d: {  	s3 =	simm.s32 $0x108;
	s8 =	sld [smem:$0x3FAE]  }
0x2e: {  	s3 =	simm.s32 @!p0 $0x1082;
	s9 =	sld [smem:$0x3FAF]  }
0x2f: {  	lr =	sadd.s32 s0, s3;
	s0 =	sld [smem:$0x3FA6]  }
0x30: {  	s3 =	sld [smem:$0x3FA9]  }
0x31: {  	[smem:$0x3FB2] =	sst s10  }
0x32: {  	s10 =	sld [smem:$0x3FB0];
	_ =	sdelay $0x3  }
0x33: {  	p0 =	seq.s32 s10, $0x1;
	s10 =	sld [smem:$0x3FB2];
	_ =	sdelay $0x3  }
0x34: {  	[smem:$0x3FB2] =	sst s10  }
0x35: {  	s10 =	sld [smem:$0x3FB1];
	_ =	sdelay $0x3  }
0x36: {  	p1 =	seq.s32 s10, $0x1;
	s10 =	sld [smem:$0x3FB2];
	_ =	sdelay $0x3  }
0x37: {  	[smem:$0x3FB2] =	sst s10  }
0x38: {  	s10 =	sld [smem:$0x3FB3]  }
0x39: {  	_ = 	snop;
	(pc) =	sbr.ind lr, $3  }
0x3a: {  	_ = 	snop  }
0x3b: {  	_ = 	snop  }
0x3c: {  	p2 =	seq.s32 s10, $0x1;
	s10 =	sld [smem:$0x3FB2]  }
0x3d: {  	_ =	shalt  }
0x3e: {  	_ =	shalt  }
0x3f: {  	_ =	shalt  }
0x40: {  	_ =	shalt  }
0x41: {  	_ =	shalt  }
0x42: {  	_ =	shalt  }
0x43: {  	_ =	shalt  }
0x44: {  	_ =	shalt  }
0x45: {  	_ =	shalt  }
0x46: {  	_ =	shalt  }
0x47: {  	_ =	shalt  }
0x48: {  	_ =	shalt  }
0x49: {  	_ =	shalt  }
0x4a: {  	_ =	shalt  }
0x4b: {  	_ =	shalt  }
0x4c: {  	_ =	shalt  }
0x4d: {  	_ =	shalt  }
0x4e: {  	_ =	shalt  }
0x4f: {  	_ =	shalt  }
0x50: {  	_ =	shalt  }
0x51: {  	_ =	shalt  }
0x52: {  	_ =	shalt  }
0x53: {  	_ =	shalt  }
0x54: {  	_ =	shalt  }
0x55: {  	_ =	shalt  }
0x56: {  	_ =	shalt  }
0x57: {  	_ =	shalt  }
0x58: {  	_ =	shalt  }
0x59: {  	_ =	shalt  }
0x5a: {  	_ =	shalt  }
0x5b: {  	_ =	shalt  }
0x5c: {  	_ =	shalt  }
0x5d: {  	_ =	shalt  }
0x5e: {  	_ =	shalt  }
0x5f: {  	_ =	shalt  }
0x60: {  	_ =	shalt  }
0x61: {  	_ =	shalt  }
0x62: {  	_ =	shalt  }
0x63: {  	_ =	shalt  }
0x64: {  	_ =	shalt  }
0x65: {  	_ =	shalt  }
0x66: {  	_ =	shalt  }
0x67: {  	_ =	shalt  }
0x68: {  	_ =	shalt  }
0x69: {  	_ =	shalt  }
0x6a: {  	_ =	shalt  }
0x6b: {  	_ =	shalt  }
0x6c: {  	_ =	shalt  }
0x6d: {  	_ =	shalt  }
0x6e: {  	_ =	shalt  }
0x6f: {  	_ =	shalt  }
0x70: {  	_ =	shalt  }
0x71: {  	_ =	shalt  }
0x72: {  	_ =	shalt  }
0x73: {  	_ =	shalt  }
0x74: {  	_ =	shalt  }
0x75: {  	_ =	shalt  }
0x76: {  	_ =	shalt  }
0x77: {  	_ =	shalt  }
0x78: {  	_ =	shalt  }
0x79: {  	_ =	shalt  }
0x7a: {  	_ =	shalt  }
0x7b: {  	_ =	shalt  }
0x7c: {  	_ =	shalt  }
0x7d: {  	_ =	shalt  }
0x7e: {  	_ =	shalt  }
0x7f: {  	_ =	shalt  }
0x80: {  	_ =	shalt  }
0x81: {  	_ =	shalt  }
0x82: {  	_ =	shalt  }
0x83: {  	_ =	shalt  }
0x84: {  	_ =	shalt  }
0x85: {  	_ =	shalt  }
0x86: {  	_ =	shalt  }
0x87: {  	_ =	shalt  }
.Lfunc_end0:
.L_simem_size_0:
called_computation.1_lowered:
.L_overlay_start_0:
0x88: {  	s2 =	sld [smem:$0x3FD9]  }
0x89: {  	s3 =	sld [smem:$0x3FFE];
	_ =	sdelay $0x1  }
0x8a: {  	s1 =	srdreg.scid  }
0x8b: {  	s0 =	sand.u32 $0x1, s1  }
0x8c: {  	s16 =	sshll.u32 s0, $0xA;
	s2 =	sadd.s32 s3, s2  }
0x8d: {  	s2 =	sadd.s32 s2, s16  }
0x8e: {  	[smem:$0x3FBE] =	sst s2  }
0x8f: {  	_ = 	snop  }
0x90: {  	(tm) =	ssettm $0x1  }
0x91: {  	s17 =	sld [smem:$0x3FFB];
	_ =	sdelay $0x3  }
0x92: {  	_ =	strace s17  }
0x93: {  	s2 =	sld [smem:$0x3FFC];
	_ =	sdelay $0x3  }
0x94: {  	_ =	strace s2  }
0x95: {  	s2 =	sld [smem:$0x3FFD];
	_ =	sdelay $0x3  }
0x96: {  	_ =	strace s2  }
0x97: {  	_ =	strace $0x8FFFFFFF  }
0x98: {  	s18 =	sld [smem:$0x3FDB];
	_ =	sdelay $0x1  }
0x99: {  	s19 =	simm.s32 $_scs_section_size  }
0x9a: {  	s4 =	simm.s32 $_size__tile_overlayer_lowered;
	s5 =	simm.s32 $_tile_overlayer_lowered  }
0x9b: {  	s22 =	simm.s32 $0x1BFF;
	s21 =	sshll.u32 s5, $0x1;
	s2 =	sadd.s32 s19, s18  }
0x9c: {  	s6 =	simm.s32 $0x0;
	s20 =	sshll.u32 s4, $0x1;
	s4 =	sadd.s32 s21, s2  }
0x9d: {  	[timem:s6], [sflag:s22] =	dma.local [hbm:s4], s20  }
0x9e: {  	_ =	swait.ge [sflag:s22], s20  }
0x9f: {  	s3 =	ssub.s32 $0x0, s20;
	[sflag:s22] =	ssyncset.done $0x0  }
0xa0: {  	[sflag:s22] =	ssyncadd.s32 s3;
	_ =	sdelay $0x1  }
0xa1: {  	s23 =	simm.s32 $0x1B8B  }
0xa2: {  	_ =	swait.ge [sflag:s23], $0x1  }
0xa3: {  	[sflag:s23] =	ssyncset.done $0x0  }
0xa4: {  	s25 =	simm.s32 $0x1B8E;
	s24 =	sld [smem:$0x3FFE];
	[sflag:s23] =	ssyncadd.s32 $0xFFFFFFFF  }
0xa5: {  	s26 =	simm.s32 $execute0_lowered;
	[smem:$0x3FD2] =	sst s25  }
0xa6: {  	s4 =	sshll.u32 s26, $0x1;
	_ =	strace $0x80000049;
	[dreg:$0x1] =	wrdreg $0xFFFFFFFF  }
0xa7: {  	s28 =	simm.s32 $_size_execute0_lowered;
	s2 =	sadd.s32 s2, s4;
	[dreg:$0x0] =	wrdreg $0x0  }
0xa8: {  	s4 =	sshll.u32 s28, $0x1;
	[dreg:$0x2] =	wrdreg s2  }
0xa9: {  	[dreg:$0x3] =	wrdreg s4  }
0xaa: {  	[dreg:$0x4] =	wrdreg $0xC0  }
0xab: {  	_ =	task [dreg:s6], $0x5FFFF  }
0xac: {  	[dreg:$0x1] =	wrdreg $0xFFFFFFFF  }
0xad: {  	[dreg:$0x0] =	wrdreg $0x60  }
0xae: {  	[dreg:$0x2] =	wrdreg s24  }
0xaf: {  	[dreg:$0x3] =	wrdreg $0x9F000  }
0xb0: {  	[dreg:$0x4] =	wrdreg $0x9  }
0xb1: {  	_ =	task.clear_ibuf [dreg:s6], $0x5FFFF;
	_ =	strace $0x90000049  }
0xb2: {  	s29 =	simm.s32 $0x9;
	_ =	strace $0x8000004B  }
0xb3: {  	_ =	swait.ge [sflag:s29], $0x1  }
0xb4: {  	[sflag:s29] =	ssyncadd.s32 $0xFFFFFFFF  }
0xb5: {  	_ =	strace $0x9000004B  }
0xb6: {  	_ =	sfence  }
0xb7: {  	s30 =	sld [smem:$0x0];
	_ =	sdelay $0x2  }
0xb8: {  	s31 =	sshll.u32 s1, $0xD;
	s1 =	sshrl.u32 s1, $0x2  }
0xb9: {  	s3 =	sand.u32 $0x4000, s31;
	s1 =	sadd.s32 s1, s30  }
0xba: {  	s0 =	sor.u32 s3, s0;
	s1 =	sshll.u32 s1, $0x11  }
0xbb: {  	s0 =	sor.u32 s1, s0  }
0xbc: {  	s0 =	sadd.s32 $0x8F2B, s0  }
0xbd: {  	[sflag:s0] =	ssyncadd.remote.s32 $0x1  }
0xbe: {  	_ =	sfence.sel $0xFFFF  }
0xbf: {  	[dreg:$0x0] =	wrdreg $0xFFFFFFFF;
	(pc) =	sbr.abs _section_cstart, $3  }
0xc0: {  	[dreg:$0x1] =	wrdreg $0xFFFFFFFF  }
0xc1: {  	_ =	task.clear_ibuf [dreg:s6], $0x2FFFF;
	_ =	strace $0x9FFFFFFF  }
0xc2: {  	(tm) =	ssettm $0x7FFFFFFF  }
0xc3: {  	_ =	shalt  }
tec
execute0_lowered:
.L_overlay_start_1:
0x0: {  	(tag) =	ssettag $0x1  }
0x1: {  	s1 =	srdreg.scid  }
0x2: {  	s0 =	stileid.u32;
	s5 =	rddreg [dreg:$0x0]  }
0x3: {  	s2 =	rddreg [dreg:$0x1];
	s3 =	simm.s32 $0x0;
	s17 =	simm.s32 $0x3  }
0x4: {  	s18 =	simm.s32 $0x2780;
	s19 =	simm.s32 $0x4F00;
	s20 =	simm.s32 $0x50  }
0x5: {  	s21 =	simm.s32 $0x7700;
	s22 =	simm.s32 $0x1;
	s23 =	simm.s32 $0x2  }
0x6: {  	s24 =	simm.s32 $0x4E40;
	s25 =	simm.s32 $0x0;
	s8 =	smul.u32 $0x14000, s0  }
0x7: {  	s4 =	sand.u32 $0x1, s1;
	s29 =	sshll.u32 s0, $0x1;
	s9 =	smul.u32 $0x50000, s0  }
0x8: {  	[smem:$0x7FF] =	sst s3;
	s1 =	sor.u32 s4, s29;
	s7 =	smul.u32 $0x140000, s4  }
0x9: {  	s30 =	ssub.s32 $0x2, s4;
	s4 =	sadd.s32 $0x66C00, s5;
	s6 =	smul.u32 $0x4E2, s1  }
0xa: {  	s1 =	rddreg [dreg:$0x2];
	_ =	strace $0x8000004A;
	s10 =	sshrl.u32 s30, $0x1  }
0xb: {  	s31 =	sshrl.u32 s9, $0x2;
	s7 =	sadd.s32 s8, s7;
	s16 =	ssub.s32 s30, s10  }
0xc: {  	s6 =	sadd.s32 s6, s5;
	s7 =	sshrl.u32 s7, $0x3;
	s16 =	smax.u32 s16, $0x1  }
0xd: {  	s15 =	sadd.s32 s7, s5;
	s5 =	sadd.s32 $0xC400, s6;
	s7 =	sadd.s32 s31, s2  }
0xe: {  	s6 =	sadd.s32 $0x2600, s6;
	s8 =	sadd.s32 $0x2800, s7;
	s9 =	sadd.s32 $0x5000, s7  }
0xf: {  	s10 =	sadd.s32 $0x7800, s7;
	s11 =	sadd.s32 $0xA000, s7;
	s12 =	sadd.s32 $0xC800, s7  }
0x10: {  	v0 =	vimm.f32 $0.0e+00;
	s13 =	sadd.s32 $0xF000, s7;
	s14 =	sadd.s32 $0x11800, s7;
	s15 =	sadd.s32 $0x8DE00, s15  }
.LBB2_1:
0x11: {  	[tilespmem:s3], [sflag:$0x3] =	stream.linear.gather [hbm4b:s5+s3], $0x2710, $0x38;
	[tilespmem:$0x1DF00] =	vst v63  }
0x12: {  	_ =	swait.ge [sflag:s17], $0x2710  }
0x13: {  	[sflag:s17] =	ssyncset.done $0x0  }
0x14: {  	[sflag:s17] =	ssyncadd.s32 $0xFFFFD8F0  }
0x15: {  	[tilespmem:s18], [sflag:$0x3] =	stream.linear.gather [hbm4b:s6+s3], $0x2710, $0x38;
	[tilespmem:$0x1DF00] =	vst v63  }
0x16: {  	_ =	swait.ge [sflag:s17], $0x2710  }
0x17: {  	[sflag:s17] =	ssyncset.done $0x0  }
0x18: {  	s26 =	simm.s32 $0x0;
	s28 =	simm.s32 $0x200;
	[sflag:s17] =	ssyncadd.s32 $0xFFFFD8F0  }
.LBB2_2:
0x19: {  	p0 =	sne.s32 s28, $0x9E00;
	[tilespmem:s26+$0x4F70] =	vst v0  }
0x1a: {  	[tilespmem:s26+$0x4F00] =	vst v0  }
0x1b: {  	[tilespmem:s26+$0x4F10] =	vst v0  }
.Ltmp0:
0x1c: {  	[tilespmem:s26+$0x4F20] =	vst v0;
	(pc) =	sbr.rel @p0 .LBB2_2-.Ltmp0, $4  }
0x1d: {  	[tilespmem:s26+$0x4F30] =	vst v0  }
0x1e: {  	[tilespmem:s26+$0x4F40] =	vst v0  }
0x1f: {  	[tilespmem:s26+$0x4F50] =	vst v0  }
0x20: {  	[tilespmem:s26+$0x4F60] =	vst v0;
	s26 =	sshra.s32 s28, $0x2;
	s28 =	sadd.s32 $0x200, s28  }
0x21: {  	[tilespmem:s26+$0x4F70] =	vst v0  }
0x22: {  	[tilespmem:s26+$0x4F00] =	vst v0  }
0x23: {  	[tilespmem:s26+$0x4F10] =	vst v0  }
0x24: {  	[tilespmem:s26+$0x4F20] =	vst v0  }
0x25: {  	[tilespmem:s26+$0x4F30] =	vst v0  }
0x26: {  	[tilespmem:s26+$0x4F40] =	vst v0  }
0x27: {  	[tilespmem:s26+$0x4F50] =	vst v0  }
0x28: {  	[tilespmem:s26+$0x4F60] =	vst v0  }
0x29: {  	[spmem:s7] =	stream.linear.scatter [tilespmem:s19], [sflag:$0x3], $0x2800, $0x38;
	[tilespmem:$0x1DF00] =	vst v63  }
0x2a: {  	_ =	swait.ge [sflag:s17], $0x2800  }
0x2b: {  	[sflag:s17] =	ssyncset.done $0x0  }
0x2c: {  	[sflag:s17] =	ssyncadd.s32 $0xFFFFD800  }
0x2d: {  	[spmem:s8] =	stream.linear.scatter [tilespmem:s19], [sflag:$0x3], $0x2800, $0x38;
	[tilespmem:$0x1DF00] =	vst v63  }
0x2e: {  	_ =	swait.ge [sflag:s17], $0x2800  }
0x2f: {  	[sflag:s17] =	ssyncset.done $0x0  }
0x30: {  	[sflag:s17] =	ssyncadd.s32 $0xFFFFD800  }
0x31: {  	[spmem:s9] =	stream.linear.scatter [tilespmem:s19], [sflag:$0x3], $0x2800, $0x38;
	[tilespmem:$0x1DF00] =	vst v63  }
0x32: {  	_ =	swait.ge [sflag:s17], $0x2800  }
0x33: {  	[sflag:s17] =	ssyncset.done $0x0  }
0x34: {  	[sflag:s17] =	ssyncadd.s32 $0xFFFFD800  }
0x35: {  	[spmem:s10] =	stream.linear.scatter [tilespmem:s19], [sflag:$0x3], $0x2800, $0x38;
	[tilespmem:$0x1DF00] =	vst v63  }
0x36: {  	_ =	swait.ge [sflag:s17], $0x2800  }
0x37: {  	[sflag:s17] =	ssyncset.done $0x0  }
0x38: {  	[sflag:s17] =	ssyncadd.s32 $0xFFFFD800  }
0x39: {  	[spmem:s11] =	stream.linear.scatter [tilespmem:s19], [sflag:$0x3], $0x2800, $0x38;
	[tilespmem:$0x1DF00] =	vst v63  }
0x3a: {  	_ =	swait.ge [sflag:s17], $0x2800  }
0x3b: {  	[sflag:s17] =	ssyncset.done $0x0  }
0x3c: {  	[sflag:s17] =	ssyncadd.s32 $0xFFFFD800  }
0x3d: {  	[spmem:s12] =	stream.linear.scatter [tilespmem:s19], [sflag:$0x3], $0x2800, $0x38;
	[tilespmem:$0x1DF00] =	vst v63  }
0x3e: {  	_ =	swait.ge [sflag:s17], $0x2800  }
0x3f: {  	[sflag:s17] =	ssyncset.done $0x0  }
0x40: {  	[sflag:s17] =	ssyncadd.s32 $0xFFFFD800  }
0x41: {  	[spmem:s13] =	stream.linear.scatter [tilespmem:s19], [sflag:$0x3], $0x2800, $0x38;
	[tilespmem:$0x1DF00] =	vst v63  }
0x42: {  	_ =	swait.ge [sflag:s17], $0x2800  }
0x43: {  	[sflag:s17] =	ssyncset.done $0x0  }
0x44: {  	[sflag:s17] =	ssyncadd.s32 $0xFFFFD800  }
0x45: {  	[spmem:s14] =	stream.linear.scatter [tilespmem:s19], [sflag:$0x3], $0x2800, $0x38;
	[tilespmem:$0x1DF00] =	vst v63  }
0x46: {  	_ =	swait.ge [sflag:s17], $0x2800  }
0x47: {  	[sflag:s17] =	ssyncset.done $0x0  }
0x48: {  	[sflag:s17] =	ssyncadd.s32 $0xFFFFD800  }
0x49: {  	s30 =	simm.s32 $0x0;
	[bflag:$0x0] =	sbarrier.arrive $0xFFFF  }
0x4a: {  	[tilespmem:s19], [sflag:$0x1] =	stream.indirect.gather [hbm4b:s4+s20], $0x80, s30, s20, $0xb8;
	[tilespmem:$0x1DF00] =	vst v63  }
0x4b: {  	s31 =	simm.s32 $0x50  }
0x4c: {  	[tilespmem:s21], [sflag:$0x2] =	stream.indirect.gather [hbm4b:s4+s20], $0x80, s31, s20, $0xb8;
	[tilespmem:$0x1DF00] =	vst v63  }
0x4d: {  	_ =	swait.ge [sflag:s22], $0x2800  }
0x4e: {  	[sflag:s22] =	ssyncset.done $0x0  }
0x4f: {  	s29 =	simm.s32 $0x2780;
	[sflag:s22] =	ssyncadd.s32 $0xFFFFD800  }
0x50: {  	[spmem:s2] =	stream.indirect.scatter.add.f32 [tilespmem:s19], [sflag:$0x3], $0x80, s29, s20, $0xb8;
	[tilespmem:$0x1DF00] =	vst v63  }
0x51: {  	_ =	swait.ge [sflag:s17], $0x2800  }
0x52: {  	[sflag:s17] =	ssyncset.done $0x0  }
0x53: {  	s30 =	simm.s32 $0xA0;
	[sflag:s17] =	ssyncadd.s32 $0xFFFFD800  }
0x54: {  	[tilespmem:s19], [sflag:$0x1] =	stream.indirect.gather [hbm4b:s4+s20], $0x80, s30, s20, $0xb8;
	[tilespmem:$0x1DF00] =	vst v63  }
0x55: {  	_ =	swait.ge [sflag:s23], $0x2800  }
0x56: {  	[sflag:s23] =	ssyncset.done $0x0  }
0x57: {  	s31 =	simm.s32 $0x27D0;
	[sflag:s23] =	ssyncadd.s32 $0xFFFFD800  }
0x58: {  	[spmem:s2] =	stream.indirect.scatter.add.f32 [tilespmem:s21], [sflag:$0x3], $0x80, s31, s20, $0xb8;
	[tilespmem:$0x1DF00] =	vst v63  }
0x59: {  	_ =	swait.ge [sflag:s17], $0x2800  }
0x5a: {  	s28 =	simm.s32 $0x500;
	s26 =	simm.s32 $0xA0;
	[sflag:s17] =	ssyncset.done $0x0  }
.LBB2_4:
0x5b: {  	s29 =	sadd.s32 $0x50, s26  }
0x5c: {  	[sflag:s17] =	ssyncadd.s32 $0xFFFFD800;
	s30 =	smov.u32 s28;
	s31 =	sadd.s32 $0x280, s28  }
0x5d: {  	[tilespmem:s21], [sflag:$0x2] =	stream.indirect.gather [hbm4b:s4+s20], $0x80, s29, s20, $0xb8;
	[tilespmem:$0x1DF00] =	vst v63  }
0x5e: {  	p0 =	sne.s32 s28, $0x9880;
	_ =	swait.ge [sflag:s22], $0x2800  }
0x5f: {  	[sflag:s22] =	ssyncset.done $0x0  }
0x60: {  	s28 =	sadd.s32 $0x2780, s26;
	[sflag:s22] =	ssyncadd.s32 $0xFFFFD800  }
0x61: {  	[spmem:s2] =	stream.indirect.scatter.add.f32 [tilespmem:s19], [sflag:$0x3], $0x80, s28, s20, $0xb8;
	[tilespmem:$0x1DF00] =	vst v63  }
0x62: {  	_ =	swait.ge [sflag:s17], $0x2800  }
0x63: {  	[sflag:s17] =	ssyncset.done $0x0  }
0x64: {  	s28 =	sadd.s32 $0xA0, s26;
	[sflag:s17] =	ssyncadd.s32 $0xFFFFD800  }
0x65: {  	[tilespmem:s19], [sflag:$0x1] =	stream.indirect.gather [hbm4b:s4+s20], $0x80, s28, s20, $0xb8;
	[tilespmem:$0x1DF00] =	vst v63  }
0x66: {  	_ =	swait.ge [sflag:s23], $0x2800  }
.Ltmp1:
0x67: {  	[sflag:s23] =	ssyncset.done $0x0;
	(pc) =	sbr.rel @p0 .LBB2_4-.Ltmp1, $4  }
0x68: {  	s26 =	sadd.s32 $0x27D0, s26;
	[sflag:s23] =	ssyncadd.s32 $0xFFFFD800  }
0x69: {  	[spmem:s2] =	stream.indirect.scatter.add.f32 [tilespmem:s21], [sflag:$0x3], $0x80, s26, s20, $0xb8;
	[tilespmem:$0x1DF00] =	vst v63  }
0x6a: {  	_ =	swait.ge [sflag:s17], $0x2800  }
0x6b: {  	s28 =	smov.u32 s31;
	s26 =	sshra.s32 s30, $0x2;
	[sflag:s17] =	ssyncset.done $0x0  }
0x6c: {  	s28 =	sadd.s32 $0x50, s26;
	[sflag:s17] =	ssyncadd.s32 $0xFFFFD800  }
0x6d: {  	[tilespmem:s21], [sflag:$0x2] =	stream.indirect.gather [hbm4b:s4+s20], $0x80, s28, s20, $0xb8;
	[tilespmem:$0x1DF00] =	vst v63  }
0x6e: {  	_ =	swait.ge [sflag:s22], $0x2800  }
0x6f: {  	[sflag:s22] =	ssyncset.done $0x0  }
0x70: {  	s30 =	sadd.s32 $0x2780, s26;
	[sflag:s22] =	ssyncadd.s32 $0xFFFFD800  }
0x71: {  	[spmem:s2] =	stream.indirect.scatter.add.f32 [tilespmem:s19], [sflag:$0x3], $0x80, s30, s20, $0xb8;
	[tilespmem:$0x1DF00] =	vst v63  }
0x72: {  	_ =	swait.ge [sflag:s17], $0x2800  }
0x73: {  	[sflag:s17] =	ssyncset.done $0x0  }
0x74: {  	s31 =	sadd.s32 $0xA0, s26;
	[sflag:s17] =	ssyncadd.s32 $0xFFFFD800  }
0x75: {  	[tilespmem:s19], [sflag:$0x1] =	stream.indirect.gather [hbm4b:s4+s20], $0x80, s31, s20, $0xb8;
	[tilespmem:$0x1DF00] =	vst v63  }
0x76: {  	_ =	swait.ge [sflag:s23], $0x2800  }
0x77: {  	[sflag:s23] =	ssyncset.done $0x0  }
0x78: {  	s29 =	sadd.s32 $0x27D0, s26;
	[sflag:s23] =	ssyncadd.s32 $0xFFFFD800  }
0x79: {  	[spmem:s2] =	stream.indirect.scatter.add.f32 [tilespmem:s21], [sflag:$0x3], $0x80, s29, s20, $0xb8;
	[tilespmem:$0x1DF00] =	vst v63  }
0x7a: {  	_ =	swait.ge [sflag:s17], $0x2800  }
0x7b: {  	[sflag:s17] =	ssyncset.done $0x0  }
0x7c: {  	[sflag:s17] =	ssyncadd.s32 $0xFFFFD800  }
0x7d: {  	_ =	swait.ge [sflag:s22], $0x2800  }
0x7e: {  	[sflag:s22] =	ssyncset.done $0x0  }
0x7f: {  	[sflag:s22] =	ssyncadd.s32 $0xFFFFD800  }
0x80: {  	[spmem:s2] =	stream.indirect.scatter.add.f32 [tilespmem:s19], [sflag:$0x3], $0x80, s24, s20, $0xb8;
	[tilespmem:$0x1DF00] =	vst v63  }
0x81: {  	_ =	swait.ge [sflag:s17], $0x2800  }
0x82: {  	s25 =	sadd.s32 $0x1, s25;
	s30 =	sshll.u32 s0, $0x6;
	[sflag:s17] =	ssyncset.done $0x0  }
0x83: {  	p0 =	sne.s32 s25, s16;
	s26 =	sor.u32 $0x1C03, s30;
	[sflag:s17] =	ssyncadd.s32 $0xFFFFD800  }
.Ltmp2:
0x84: {  	s31 =	sshrl.u32 s7, $0x3;
	[bflag:$0x0] =	sbarrier.arrive $0xFFFF;
	(pc) =	sbr.rel @p0 .LBB2_1-.Ltmp2, $4  }
0x85: {  	[hbm:s15], [sflag:s26] =	dma.local [spmem:s31], $0x2800  }
0x86: {  	_ =	swait.ge [sflag:s17], $0x2800  }
0x87: {  	[sflag:s17] =	ssyncset.done $0x0  }
0x88: {  	[sflag:s17] =	ssyncadd.s32 $0xFFFFD800  }
0x89: {  	_ =	sfence.sel $0x180000  }
0x8a: {  	[bflag:$0x0] =	sbarrier.arrive $0xFFFF  }
0x8b: {  	p0 =	sne.s32 s0, $0x0;
	_ =	strace $0x9000004A  }
0x8c: {  	s0 =	sadd.s32 @!p0 $0x100000, s1;
	[bflag:$0x2] =	sbarrier.arrive $0xFFFF  }
0x8d: {  	[sflag:s0] =	ssyncadd.tile.s32 @!p0 $0x1;
	_ =	shalt  }
.Lfunc_end2:
_tile_overlayer_lowered:
.L_overlay_start_2:
0x8e: {  	(tag) =	ssettag $0x2  }
0x8f: {  	s0 =	rddreg [dreg:$0x0];
	s2 =	stileid.u32  }
0x90: {  	s1 =	rddreg [dreg:$0x1];
	p0 =	sne.s32 s2, $0x0  }
0x91: {  	s3 =	rddreg [dreg:$0x2];
	[bflag:$0x3] =	sbarrier.arrive $0xFFFF;
	s2 =	simm.s32 @!p0 $0x1C03  }
0x92: {  	[timem:s3], [sflag:s2] =	dma.local @!p0 [hbm:s0], s1  }
0x93: {  	s0 =	simm.s32 @!p0 $0x3  }
0x94: {  	_ =	swait.ge @!p0 [sflag:s0], s1  }
0x95: {  	s1 =	ssub.s32 @!p0 $0x0, s1;
	[sflag:s0] =	ssyncset.done @!p0 $0x0  }
0x96: {  	[sflag:s0] =	ssyncadd.s32 @!p0 s1  }
0x97: {  	[bflag:$0x3] =	sbarrier.arrive $0xFFFF  }
0x98: {  	_ =	shalt  }

// kernel: _run.14.cloned.1.call-start
scs
__scs_entry_jumppad:
0x0: {  	(pc) =	sbr.rel $0x88, $3  }
0x1: {  	(tag) =	ssettag $0x0;
	lr =	simm.s32 $0x1  }
0x2: {  	[smem:$0x3F97] =	sst lr;
	_ =	strace $0xD0000000  }
0x3: {  	_ = 	snop  }
0x4: {  	_ = 	snop  }
0x5: {  	_ = 	snop  }
0x6: {  	_ = 	snop  }
0x7: {  	_ = 	snop  }
__scs_overlays_trampoline_lowered:
0x8: {  	[smem:$0x3FA6] =	sst s0  }
0x9: {  	[smem:$0x3FA7] =	sst s1  }
0xa: {  	[smem:$0x3FA8] =	sst s2  }
0xb: {  	[smem:$0x3FA9] =	sst s3  }
0xc: {  	[smem:$0x3FAA] =	sst s4  }
0xd: {  	[smem:$0x3FAB] =	sst s5  }
0xe: {  	[smem:$0x3FAC] =	sst s6  }
0xf: {  	[smem:$0x3FAD] =	sst s7  }
0x10: {  	[smem:$0x3FAE] =	sst s8  }
0x11: {  	[smem:$0x3FAF] =	sst s9;
	s0 =	simm.s32 @!p0 $0x0  }
0x12: {  	s1 =	sld [smem:$0x3F95];
	s0 =	simm.s32 @p0 $0x1  }
0x13: {  	[smem:$0x3FB0] =	sst s0;
	s0 =	simm.s32 @!p1 $0x0  }
0x14: {  	s2 =	sld [smem:$0x3F94];
	s0 =	simm.s32 @p1 $0x1  }
0x15: {  	[smem:$0x3FB1] =	sst s0;
	s0 =	simm.s32 @!p2 $0x0  }
0x16: {  	s3 =	sld [smem:$0x3FDB];
	s0 =	simm.s32 @p2 $0x1  }
0x17: {  	s4 =	simm.s32 $0x1BF5;
	[smem:$0x3FB3] =	sst s0  }
0x18: {  	s0 =	sld [smem:$0x3F96];
	_ =	swait.ge [sflag:s4], $0x0  }
0x19: {  	s7 =	sld [smem:$0x3F97]  }
0x1a: {  	s8 =	sadd.s32 $0xFFFFE003, lr  }
0x1b: {  	s9 =	sadd.s32 $0xFFFFFEF7, lr;
	s5 =	simm.s32 $0xFFFFFFFF;
	p2 =	slt.u32 s8, $0xFFFFF086  }
0x1c: {  	p1 =	slt.u32 s9, $0xF7A;
	s5 =	simm.s32 @!p2 $0x0  }
0x1d: {  	s5 =	simm.s32 @p1 $0x1;
	p0 =	seq.s32 s7, s2  }
0x1e: {  	s7 =	smul.u32 @!p0 $0xF7A, s2;
	p2 =	seq.s32 @!p0 s5, $0x0  }
0x1f: {  	s9 =	smul.u32 $0xF7A, s1;
	s8 =	simm.s32 @!p0 $0x1BF5;
	p2 =	por !p2, p0  }
0x20: {  	[sflag:s8] =	ssyncset.s32 @!p0 $0xFFFFF086;
	s6 =	sadd.s32 @!p0 s3, s7;
	s7 =	simm.s32 @!p0 $0x108  }
0x21: {  	s3 =	sadd.s32 s3, s9;
	s6 =	sadd.s32 @!p0 $0x88, s6;
	s7 =	simm.s32 @p2 $0x1082  }
0x22: {  	[simem:s7], [sflag:s8] =	dma.local @!p0 [hbm:s6], $0xF7A  }
0x23: {  	s9 =	sor.u32 $0xD0000000, s2;
	s6 =	simm.s32 $0x108;
	_ =	swait.ge @!p0 [sflag:s8], $0x0  }
0x24: {  	s3 =	sadd.s32 $0x88, s3;
	s6 =	simm.s32 @!p1 $0x1082;
	[sflag:s4] =	ssyncset.s32 $0xFFFFF086  }
0x25: {  	[simem:s6], [sflag:s4] =	dma.local [hbm:s3], $0xF7A  }
0x26: {  	[smem:$0x3F97] =	sst s1;
	(tag) =	ssettag s2;
	_ =	strace s9  }
0x27: {  	s1 =	sld [smem:$0x3FA7]  }
0x28: {  	s2 =	sld [smem:$0x3FA8]  }
0x29: {  	s4 =	sld [smem:$0x3FAA]  }
0x2a: {  	p0 =	seq.s32 s5, $0x0;
	s5 =	sld [smem:$0x3FAB]  }
0x2b: {  	s6 =	sld [smem:$0x3FAC]  }
0x2c: {  	s7 =	sld [smem:$0x3FAD]  }
0x2d: {  	s3 =	simm.s32 $0x108;
	s8 =	sld [smem:$0x3FAE]  }
0x2e: {  	s3 =	simm.s32 @!p0 $0x1082;
	s9 =	sld [smem:$0x3FAF]  }
0x2f: {  	lr =	sadd.s32 s0, s3;
	s0 =	sld [smem:$0x3FA6]  }
0x30: {  	s3 =	sld [smem:$0x3FA9]  }
0x31: {  	[smem:$0x3FB2] =	sst s10  }
0x32: {  	s10 =	sld [smem:$0x3FB0];
	_ =	sdelay $0x3  }
0x33: {  	p0 =	seq.s32 s10, $0x1;
	s10 =	sld [smem:$0x3FB2];
	_ =	sdelay $0x3  }
0x34: {  	[smem:$0x3FB2] =	sst s10  }
0x35: {  	s10 =	sld [smem:$0x3FB1];
	_ =	sdelay $0x3  }
0x36: {  	p1 =	seq.s32 s10, $0x1;
	s10 =	sld [smem:$0x3FB2];
	_ =	sdelay $0x3  }
0x37: {  	[smem:$0x3FB2] =	sst s10  }
0x38: {  	s10 =	sld [smem:$0x3FB3]  }
0x39: {  	_ = 	snop;
	(pc) =	sbr.ind lr, $3  }
0x3a: {  	_ = 	snop  }
0x3b: {  	_ = 	snop  }
0x3c: {  	p2 =	seq.s32 s10, $0x1;
	s10 =	sld [smem:$0x3FB2]  }
0x3d: {  	_ =	shalt  }
0x3e: {  	_ =	shalt  }
0x3f: {  	_ =	shalt  }
0x40: {  	_ =	shalt  }
0x41: {  	_ =	shalt  }
0x42: {  	_ =	shalt  }
0x43: {  	_ =	shalt  }
0x44: {  	_ =	shalt  }
0x45: {  	_ =	shalt  }
0x46: {  	_ =	shalt  }
0x47: {  	_ =	shalt  }
0x48: {  	_ =	shalt  }
0x49: {  	_ =	shalt  }
0x4a: {  	_ =	shalt  }
0x4b: {  	_ =	shalt  }
0x4c: {  	_ =	shalt  }
0x4d: {  	_ =	shalt  }
0x4e: {  	_ =	shalt  }
0x4f: {  	_ =	shalt  }
0x50: {  	_ =	shalt  }
0x51: {  	_ =	shalt  }
0x52: {  	_ =	shalt  }
0x53: {  	_ =	shalt  }
0x54: {  	_ =	shalt  }
0x55: {  	_ =	shalt  }
0x56: {  	_ =	shalt  }
0x57: {  	_ =	shalt  }
0x58: {  	_ =	shalt  }
0x59: {  	_ =	shalt  }
0x5a: {  	_ =	shalt  }
0x5b: {  	_ =	shalt  }
0x5c: {  	_ =	shalt  }
0x5d: {  	_ =	shalt  }
0x5e: {  	_ =	shalt  }
0x5f: {  	_ =	shalt  }
0x60: {  	_ =	shalt  }
0x61: {  	_ =	shalt  }
0x62: {  	_ =	shalt  }
0x63: {  	_ =	shalt  }
0x64: {  	_ =	shalt  }
0x65: {  	_ =	shalt  }
0x66: {  	_ =	shalt  }
0x67: {  	_ =	shalt  }
0x68: {  	_ =	shalt  }
0x69: {  	_ =	shalt  }
0x6a: {  	_ =	shalt  }
0x6b: {  	_ =	shalt  }
0x6c: {  	_ =	shalt  }
0x6d: {  	_ =	shalt  }
0x6e: {  	_ =	shalt  }
0x6f: {  	_ =	shalt  }
0x70: {  	_ =	shalt  }
0x71: {  	_ =	shalt  }
0x72: {  	_ =	shalt  }
0x73: {  	_ =	shalt  }
0x74: {  	_ =	shalt  }
0x75: {  	_ =	shalt  }
0x76: {  	_ =	shalt  }
0x77: {  	_ =	shalt  }
0x78: {  	_ =	shalt  }
0x79: {  	_ =	shalt  }
0x7a: {  	_ =	shalt  }
0x7b: {  	_ =	shalt  }
0x7c: {  	_ =	shalt  }
0x7d: {  	_ =	shalt  }
0x7e: {  	_ =	shalt  }
0x7f: {  	_ =	shalt  }
0x80: {  	_ =	shalt  }
0x81: {  	_ =	shalt  }
0x82: {  	_ =	shalt  }
0x83: {  	_ =	shalt  }
0x84: {  	_ =	shalt  }
0x85: {  	_ =	shalt  }
0x86: {  	_ =	shalt  }
0x87: {  	_ =	shalt  }
.Lfunc_end0:
.L_simem_size_0:
called_computation.2_lowered:
.L_overlay_start_0:
0x88: {  	s2 =	sld [smem:$0x3FD9]  }
0x89: {  	s3 =	sld [smem:$0x3FFE];
	_ =	sdelay $0x1  }
0x8a: {  	s1 =	srdreg.scid  }
0x8b: {  	s0 =	sand.u32 $0x1, s1  }
0x8c: {  	s16 =	sshll.u32 s0, $0xA;
	s2 =	sadd.s32 s3, s2  }
0x8d: {  	s2 =	sadd.s32 s2, s16  }
0x8e: {  	[smem:$0x3FBE] =	sst s2  }
0x8f: {  	_ = 	snop  }
0x90: {  	(tm) =	ssettm $0x1  }
0x91: {  	s17 =	sld [smem:$0x3FFB];
	_ =	sdelay $0x3  }
0x92: {  	_ =	strace s17  }
0x93: {  	s2 =	sld [smem:$0x3FFC];
	_ =	sdelay $0x3  }
0x94: {  	_ =	strace s2  }
0x95: {  	s2 =	sld [smem:$0x3FFD];
	_ =	sdelay $0x3  }
0x96: {  	_ =	strace s2  }
0x97: {  	_ =	strace $0x8FFFFFFF  }
0x98: {  	s18 =	sld [smem:$0x3FDB];
	_ =	sdelay $0x1  }
0x99: {  	s19 =	simm.s32 $_scs_section_size  }
0x9a: {  	s4 =	simm.s32 $_size__tile_overlayer_lowered;
	s5 =	simm.s32 $_tile_overlayer_lowered  }
0x9b: {  	s22 =	simm.s32 $0x1BFF;
	s21 =	sshll.u32 s5, $0x1;
	s2 =	sadd.s32 s19, s18  }
0x9c: {  	s6 =	simm.s32 $0x0;
	s20 =	sshll.u32 s4, $0x1;
	s4 =	sadd.s32 s21, s2  }
0x9d: {  	[timem:s6], [sflag:s22] =	dma.local [hbm:s4], s20  }
0x9e: {  	_ =	swait.ge [sflag:s22], s20  }
0x9f: {  	s3 =	ssub.s32 $0x0, s20;
	[sflag:s22] =	ssyncset.done $0x0  }
0xa0: {  	[sflag:s22] =	ssyncadd.s32 s3;
	_ =	sdelay $0x1  }
0xa1: {  	s23 =	simm.s32 $0x1B8B  }
0xa2: {  	_ =	swait.ge [sflag:s23], $0x1  }
0xa3: {  	[sflag:s23] =	ssyncset.done $0x0  }
0xa4: {  	s25 =	simm.s32 $0x1B8E;
	s24 =	sld [smem:$0x3FFE];
	[sflag:s23] =	ssyncadd.s32 $0xFFFFFFFF  }
0xa5: {  	s26 =	simm.s32 $execute0_lowered;
	[smem:$0x3FD2] =	sst s25  }
0xa6: {  	s4 =	sshll.u32 s26, $0x1;
	_ =	strace $0x8000004C;
	[dreg:$0x1] =	wrdreg $0xFFFFFFFF  }
0xa7: {  	s28 =	simm.s32 $_size_execute0_lowered;
	s2 =	sadd.s32 s2, s4;
	[dreg:$0x0] =	wrdreg $0x0  }
0xa8: {  	s4 =	sshll.u32 s28, $0x1;
	[dreg:$0x2] =	wrdreg s2  }
0xa9: {  	[dreg:$0x3] =	wrdreg s4  }
0xaa: {  	[dreg:$0x4] =	wrdreg $0xC0  }
0xab: {  	_ =	task [dreg:s6], $0x5FFFF  }
0xac: {  	[dreg:$0x1] =	wrdreg $0xFFFFFFFF  }
0xad: {  	[dreg:$0x0] =	wrdreg $0x60  }
0xae: {  	[dreg:$0x2] =	wrdreg s24  }
0xaf: {  	[dreg:$0x3] =	wrdreg $0x9F000  }
0xb0: {  	[dreg:$0x4] =	wrdreg $0x9  }
0xb1: {  	_ =	task.clear_ibuf [dreg:s6], $0x5FFFF;
	_ =	strace $0x9000004C  }
0xb2: {  	s29 =	simm.s32 $0x9;
	_ =	strace $0x8000004E  }
0xb3: {  	_ =	swait.ge [sflag:s29], $0x1  }
0xb4: {  	[sflag:s29] =	ssyncadd.s32 $0xFFFFFFFF  }
0xb5: {  	_ =	strace $0x9000004E  }
0xb6: {  	_ =	sfence  }
0xb7: {  	s30 =	sld [smem:$0x0];
	_ =	sdelay $0x2  }
0xb8: {  	s31 =	sshll.u32 s1, $0xD;
	s1 =	sshrl.u32 s1, $0x2  }
0xb9: {  	s3 =	sand.u32 $0x4000, s31;
	s1 =	sadd.s32 s1, s30  }
0xba: {  	s0 =	sor.u32 s3, s0;
	s1 =	sshll.u32 s1, $0x11  }
0xbb: {  	s0 =	sor.u32 s1, s0  }
0xbc: {  	s0 =	sadd.s32 $0x8F2B, s0  }
0xbd: {  	[sflag:s0] =	ssyncadd.remote.s32 $0x1  }
0xbe: {  	_ =	sfence.sel $0xFFFF  }
0xbf: {  	[dreg:$0x0] =	wrdreg $0xFFFFFFFF;
	(pc) =	sbr.abs _section_cstart, $3  }
0xc0: {  	[dreg:$0x1] =	wrdreg $0xFFFFFFFF  }
0xc1: {  	_ =	task.clear_ibuf [dreg:s6], $0x2FFFF;
	_ =	strace $0x9FFFFFFF  }
0xc2: {  	(tm) =	ssettm $0x7FFFFFFF  }
0xc3: {  	_ =	shalt  }
tec
execute0_lowered:
.L_overlay_start_1:
0x0: {  	(tag) =	ssettag $0x1  }
0x1: {  	s1 =	srdreg.scid  }
0x2: {  	s0 =	stileid.u32;
	s5 =	rddreg [dreg:$0x0]  }
0x3: {  	s2 =	rddreg [dreg:$0x1];
	s3 =	simm.s32 $0x0;
	s17 =	simm.s32 $0x3  }
0x4: {  	s18 =	simm.s32 $0x2780;
	s19 =	simm.s32 $0x4F00;
	s20 =	simm.s32 $0x50  }
0x5: {  	s21 =	simm.s32 $0x7700;
	s22 =	simm.s32 $0x1;
	s23 =	simm.s32 $0x2  }
0x6: {  	s24 =	simm.s32 $0x4E40;
	s25 =	simm.s32 $0x0;
	s8 =	smul.u32 $0x14000, s0  }
0x7: {  	s4 =	sand.u32 $0x1, s1;
	s29 =	sshll.u32 s0, $0x1;
	s9 =	smul.u32 $0x50000, s0  }
0x8: {  	[smem:$0x7FF] =	sst s3;
	s1 =	sor.u32 s4, s29;
	s7 =	smul.u32 $0x140000, s4  }
0x9: {  	s30 =	ssub.s32 $0x2, s4;
	s4 =	sadd.s32 $0x66C00, s5;
	s6 =	smul.u32 $0x4E2, s1  }
0xa: {  	s1 =	rddreg [dreg:$0x2];
	_ =	strace $0x8000004D;
	s10 =	sshrl.u32 s30, $0x1  }
0xb: {  	s31 =	sshrl.u32 s9, $0x2;
	s7 =	sadd.s32 s8, s7;
	s16 =	ssub.s32 s30, s10  }
0xc: {  	s6 =	sadd.s32 s6, s5;
	s7 =	sshrl.u32 s7, $0x3;
	s16 =	smax.u32 s16, $0x1  }
0xd: {  	s15 =	sadd.s32 s7, s5;
	s5 =	sadd.s32 $0xC400, s6;
	s7 =	sadd.s32 s31, s2  }
0xe: {  	s6 =	sadd.s32 $0x2600, s6;
	s8 =	sadd.s32 $0x2800, s7;
	s9 =	sadd.s32 $0x5000, s7  }
0xf: {  	s10 =	sadd.s32 $0x7800, s7;
	s11 =	sadd.s32 $0xA000, s7;
	s12 =	sadd.s32 $0xC800, s7  }
0x10: {  	v0 =	vimm.f32 $0.0e+00;
	s13 =	sadd.s32 $0xF000, s7;
	s14 =	sadd.s32 $0x11800, s7;
	s15 =	sadd.s32 $0x8DE00, s15  }
.LBB2_1:
0x11: {  	[tilespmem:s3], [sflag:$0x3] =	stream.linear.gather [hbm4b:s5+s3], $0x2710, $0x38;
	[tilespmem:$0x1DF00] =	vst v63  }
0x12: {  	_ =	swait.ge [sflag:s17], $0x2710  }
0x13: {  	[sflag:s17] =	ssyncset.done $0x0  }
0x14: {  	[sflag:s17] =	ssyncadd.s32 $0xFFFFD8F0  }
0x15: {  	[tilespmem:s18], [sflag:$0x3] =	stream.linear.gather [hbm4b:s6+s3], $0x2710, $0x38;
	[tilespmem:$0x1DF00] =	vst v63  }
0x16: {  	_ =	swait.ge [sflag:s17], $0x2710  }
0x17: {  	[sflag:s17] =	ssyncset.done $0x0  }
0x18: {  	s26 =	simm.s32 $0x0;
	s28 =	simm.s32 $0x200;
	[sflag:s17] =	ssyncadd.s32 $0xFFFFD8F0  }
.LBB2_2:
0x19: {  	p0 =	sne.s32 s28, $0x9E00;
	[tilespmem:s26+$0x4F70] =	vst v0  }
0x1a: {  	[tilespmem:s26+$0x4F00] =	vst v0  }
0x1b: {  	[tilespmem:s26+$0x4F10] =	vst v0  }
.Ltmp0:
0x1c: {  	[tilespmem:s26+$0x4F20] =	vst v0;
	(pc) =	sbr.rel @p0 .LBB2_2-.Ltmp0, $4  }
0x1d: {  	[tilespmem:s26+$0x4F30] =	vst v0  }
0x1e: {  	[tilespmem:s26+$0x4F40] =	vst v0  }
0x1f: {  	[tilespmem:s26+$0x4F50] =	vst v0  }
0x20: {  	[tilespmem:s26+$0x4F60] =	vst v0;
	s26 =	sshra.s32 s28, $0x2;
	s28 =	sadd.s32 $0x200, s28  }
0x21: {  	[tilespmem:s26+$0x4F70] =	vst v0  }
0x22: {  	[tilespmem:s26+$0x4F00] =	vst v0  }
0x23: {  	[tilespmem:s26+$0x4F10] =	vst v0  }
0x24: {  	[tilespmem:s26+$0x4F20] =	vst v0  }
0x25: {  	[tilespmem:s26+$0x4F30] =	vst v0  }
0x26: {  	[tilespmem:s26+$0x4F40] =	vst v0  }
0x27: {  	[tilespmem:s26+$0x4F50] =	vst v0  }
0x28: {  	[tilespmem:s26+$0x4F60] =	vst v0  }
0x29: {  	[spmem:s7] =	stream.linear.scatter [tilespmem:s19], [sflag:$0x3], $0x2800, $0x38;
	[tilespmem:$0x1DF00] =	vst v63  }
0x2a: {  	_ =	swait.ge [sflag:s17], $0x2800  }
0x2b: {  	[sflag:s17] =	ssyncset.done $0x0  }
0x2c: {  	[sflag:s17] =	ssyncadd.s32 $0xFFFFD800  }
0x2d: {  	[spmem:s8] =	stream.linear.scatter [tilespmem:s19], [sflag:$0x3], $0x2800, $0x38;
	[tilespmem:$0x1DF00] =	vst v63  }
0x2e: {  	_ =	swait.ge [sflag:s17], $0x2800  }
0x2f: {  	[sflag:s17] =	ssyncset.done $0x0  }
0x30: {  	[sflag:s17] =	ssyncadd.s32 $0xFFFFD800  }
0x31: {  	[spmem:s9] =	stream.linear.scatter [tilespmem:s19], [sflag:$0x3], $0x2800, $0x38;
	[tilespmem:$0x1DF00] =	vst v63  }
0x32: {  	_ =	swait.ge [sflag:s17], $0x2800  }
0x33: {  	[sflag:s17] =	ssyncset.done $0x0  }
0x34: {  	[sflag:s17] =	ssyncadd.s32 $0xFFFFD800  }
0x35: {  	[spmem:s10] =	stream.linear.scatter [tilespmem:s19], [sflag:$0x3], $0x2800, $0x38;
	[tilespmem:$0x1DF00] =	vst v63  }
0x36: {  	_ =	swait.ge [sflag:s17], $0x2800  }
0x37: {  	[sflag:s17] =	ssyncset.done $0x0  }
0x38: {  	[sflag:s17] =	ssyncadd.s32 $0xFFFFD800  }
0x39: {  	[spmem:s11] =	stream.linear.scatter [tilespmem:s19], [sflag:$0x3], $0x2800, $0x38;
	[tilespmem:$0x1DF00] =	vst v63  }
0x3a: {  	_ =	swait.ge [sflag:s17], $0x2800  }
0x3b: {  	[sflag:s17] =	ssyncset.done $0x0  }
0x3c: {  	[sflag:s17] =	ssyncadd.s32 $0xFFFFD800  }
0x3d: {  	[spmem:s12] =	stream.linear.scatter [tilespmem:s19], [sflag:$0x3], $0x2800, $0x38;
	[tilespmem:$0x1DF00] =	vst v63  }
0x3e: {  	_ =	swait.ge [sflag:s17], $0x2800  }
0x3f: {  	[sflag:s17] =	ssyncset.done $0x0  }
0x40: {  	[sflag:s17] =	ssyncadd.s32 $0xFFFFD800  }
0x41: {  	[spmem:s13] =	stream.linear.scatter [tilespmem:s19], [sflag:$0x3], $0x2800, $0x38;
	[tilespmem:$0x1DF00] =	vst v63  }
0x42: {  	_ =	swait.ge [sflag:s17], $0x2800  }
0x43: {  	[sflag:s17] =	ssyncset.done $0x0  }
0x44: {  	[sflag:s17] =	ssyncadd.s32 $0xFFFFD800  }
0x45: {  	[spmem:s14] =	stream.linear.scatter [tilespmem:s19], [sflag:$0x3], $0x2800, $0x38;
	[tilespmem:$0x1DF00] =	vst v63  }
0x46: {  	_ =	swait.ge [sflag:s17], $0x2800  }
0x47: {  	[sflag:s17] =	ssyncset.done $0x0  }
0x48: {  	[sflag:s17] =	ssyncadd.s32 $0xFFFFD800  }
0x49: {  	s30 =	simm.s32 $0x0;
	[bflag:$0x0] =	sbarrier.arrive $0xFFFF  }
0x4a: {  	[tilespmem:s19], [sflag:$0x1] =	stream.indirect.gather [hbm4b:s4+s20], $0x80, s30, s20, $0xb8;
	[tilespmem:$0x1DF00] =	vst v63  }
0x4b: {  	s31 =	simm.s32 $0x50  }
0x4c: {  	[tilespmem:s21], [sflag:$0x2] =	stream.indirect.gather [hbm4b:s4+s20], $0x80, s31, s20, $0xb8;
	[tilespmem:$0x1DF00] =	vst v63  }
0x4d: {  	_ =	swait.ge [sflag:s22], $0x2800  }
0x4e: {  	[sflag:s22] =	ssyncset.done $0x0  }
0x4f: {  	s29 =	simm.s32 $0x2780;
	[sflag:s22] =	ssyncadd.s32 $0xFFFFD800  }
0x50: {  	[spmem:s2] =	stream.indirect.scatter.add.f32 [tilespmem:s19], [sflag:$0x3], $0x80, s29, s20, $0xb8;
	[tilespmem:$0x1DF00] =	vst v63  }
0x51: {  	_ =	swait.ge [sflag:s17], $0x2800  }
0x52: {  	[sflag:s17] =	ssyncset.done $0x0  }
0x53: {  	s30 =	simm.s32 $0xA0;
	[sflag:s17] =	ssyncadd.s32 $0xFFFFD800  }
0x54: {  	[tilespmem:s19], [sflag:$0x1] =	stream.indirect.gather [hbm4b:s4+s20], $0x80, s30, s20, $0xb8;
	[tilespmem:$0x1DF00] =	vst v63  }
0x55: {  	_ =	swait.ge [sflag:s23], $0x2800  }
0x56: {  	[sflag:s23] =	ssyncset.done $0x0  }
0x57: {  	s31 =	simm.s32 $0x27D0;
	[sflag:s23] =	ssyncadd.s32 $0xFFFFD800  }
0x58: {  	[spmem:s2] =	stream.indirect.scatter.add.f32 [tilespmem:s21], [sflag:$0x3], $0x80, s31, s20, $0xb8;
	[tilespmem:$0x1DF00] =	vst v63  }
0x59: {  	_ =	swait.ge [sflag:s17], $0x2800  }
0x5a: {  	s28 =	simm.s32 $0x500;
	s26 =	simm.s32 $0xA0;
	[sflag:s17] =	ssyncset.done $0x0  }
.LBB2_4:
0x5b: {  	s29 =	sadd.s32 $0x50, s26  }
0x5c: {  	[sflag:s17] =	ssyncadd.s32 $0xFFFFD800;
	s30 =	smov.u32 s28;
	s31 =	sadd.s32 $0x280, s28  }
0x5d: {  	[tilespmem:s21], [sflag:$0x2] =	stream.indirect.gather [hbm4b:s4+s20], $0x80, s29, s20, $0xb8;
	[tilespmem:$0x1DF00] =	vst v63  }
0x5e: {  	p0 =	sne.s32 s28, $0x9880;
	_ =	swait.ge [sflag:s22], $0x2800  }
0x5f: {  	[sflag:s22] =	ssyncset.done $0x0  }
0x60: {  	s28 =	sadd.s32 $0x2780, s26;
	[sflag:s22] =	ssyncadd.s32 $0xFFFFD800  }
0x61: {  	[spmem:s2] =	stream.indirect.scatter.add.f32 [tilespmem:s19], [sflag:$0x3], $0x80, s28, s20, $0xb8;
	[tilespmem:$0x1DF00] =	vst v63  }
0x62: {  	_ =	swait.ge [sflag:s17], $0x2800  }
0x63: {  	[sflag:s17] =	ssyncset.done $0x0  }
0x64: {  	s28 =	sadd.s32 $0xA0, s26;
	[sflag:s17] =	ssyncadd.s32 $0xFFFFD800  }
0x65: {  	[tilespmem:s19], [sflag:$0x1] =	stream.indirect.gather [hbm4b:s4+s20], $0x80, s28, s20, $0xb8;
	[tilespmem:$0x1DF00] =	vst v63  }
0x66: {  	_ =	swait.ge [sflag:s23], $0x2800  }
.Ltmp1:
0x67: {  	[sflag:s23] =	ssyncset.done $0x0;
	(pc) =	sbr.rel @p0 .LBB2_4-.Ltmp1, $4  }
0x68: {  	s26 =	sadd.s32 $0x27D0, s26;
	[sflag:s23] =	ssyncadd.s32 $0xFFFFD800  }
0x69: {  	[spmem:s2] =	stream.indirect.scatter.add.f32 [tilespmem:s21], [sflag:$0x3], $0x80, s26, s20, $0xb8;
	[tilespmem:$0x1DF00] =	vst v63  }
0x6a: {  	_ =	swait.ge [sflag:s17], $0x2800  }
0x6b: {  	s28 =	smov.u32 s31;
	s26 =	sshra.s32 s30, $0x2;
	[sflag:s17] =	ssyncset.done $0x0  }
0x6c: {  	s28 =	sadd.s32 $0x50, s26;
	[sflag:s17] =	ssyncadd.s32 $0xFFFFD800  }
0x6d: {  	[tilespmem:s21], [sflag:$0x2] =	stream.indirect.gather [hbm4b:s4+s20], $0x80, s28, s20, $0xb8;
	[tilespmem:$0x1DF00] =	vst v63  }
0x6e: {  	_ =	swait.ge [sflag:s22], $0x2800  }
0x6f: {  	[sflag:s22] =	ssyncset.done $0x0  }
0x70: {  	s30 =	sadd.s32 $0x2780, s26;
	[sflag:s22] =	ssyncadd.s32 $0xFFFFD800  }
0x71: {  	[spmem:s2] =	stream.indirect.scatter.add.f32 [tilespmem:s19], [sflag:$0x3], $0x80, s30, s20, $0xb8;
	[tilespmem:$0x1DF00] =	vst v63  }
0x72: {  	_ =	swait.ge [sflag:s17], $0x2800  }
0x73: {  	[sflag:s17] =	ssyncset.done $0x0  }
0x74: {  	s31 =	sadd.s32 $0xA0, s26;
	[sflag:s17] =	ssyncadd.s32 $0xFFFFD800  }
0x75: {  	[tilespmem:s19], [sflag:$0x1] =	stream.indirect.gather [hbm4b:s4+s20], $0x80, s31, s20, $0xb8;
	[tilespmem:$0x1DF00] =	vst v63  }
0x76: {  	_ =	swait.ge [sflag:s23], $0x2800  }
0x77: {  	[sflag:s23] =	ssyncset.done $0x0  }
0x78: {  	s29 =	sadd.s32 $0x27D0, s26;
	[sflag:s23] =	ssyncadd.s32 $0xFFFFD800  }
0x79: {  	[spmem:s2] =	stream.indirect.scatter.add.f32 [tilespmem:s21], [sflag:$0x3], $0x80, s29, s20, $0xb8;
	[tilespmem:$0x1DF00] =	vst v63  }
0x7a: {  	_ =	swait.ge [sflag:s17], $0x2800  }
0x7b: {  	[sflag:s17] =	ssyncset.done $0x0  }
0x7c: {  	[sflag:s17] =	ssyncadd.s32 $0xFFFFD800  }
0x7d: {  	_ =	swait.ge [sflag:s22], $0x2800  }
0x7e: {  	[sflag:s22] =	ssyncset.done $0x0  }
0x7f: {  	[sflag:s22] =	ssyncadd.s32 $0xFFFFD800  }
0x80: {  	[spmem:s2] =	stream.indirect.scatter.add.f32 [tilespmem:s19], [sflag:$0x3], $0x80, s24, s20, $0xb8;
	[tilespmem:$0x1DF00] =	vst v63  }
0x81: {  	_ =	swait.ge [sflag:s17], $0x2800  }
0x82: {  	s25 =	sadd.s32 $0x1, s25;
	s30 =	sshll.u32 s0, $0x6;
	[sflag:s17] =	ssyncset.done $0x0  }
0x83: {  	p0 =	sne.s32 s25, s16;
	s26 =	sor.u32 $0x1C03, s30;
	[sflag:s17] =	ssyncadd.s32 $0xFFFFD800  }
.Ltmp2:
0x84: {  	s31 =	sshrl.u32 s7, $0x3;
	[bflag:$0x0] =	sbarrier.arrive $0xFFFF;
	(pc) =	sbr.rel @p0 .LBB2_1-.Ltmp2, $4  }
0x85: {  	[hbm:s15], [sflag:s26] =	dma.local [spmem:s31], $0x2800  }
0x86: {  	_ =	swait.ge [sflag:s17], $0x2800  }
0x87: {  	[sflag:s17] =	ssyncset.done $0x0  }
0x88: {  	[sflag:s17] =	ssyncadd.s32 $0xFFFFD800  }
0x89: {  	_ =	sfence.sel $0x180000  }
0x8a: {  	[bflag:$0x0] =	sbarrier.arrive $0xFFFF  }
0x8b: {  	p0 =	sne.s32 s0, $0x0;
	_ =	strace $0x9000004D  }
0x8c: {  	s0 =	sadd.s32 @!p0 $0x100000, s1;
	[bflag:$0x2] =	sbarrier.arrive $0xFFFF  }
0x8d: {  	[sflag:s0] =	ssyncadd.tile.s32 @!p0 $0x1;
	_ =	shalt  }
.Lfunc_end2:
_tile_overlayer_lowered:
.L_overlay_start_2:
0x8e: {  	(tag) =	ssettag $0x2  }
0x8f: {  	s0 =	rddreg [dreg:$0x0];
	s2 =	stileid.u32  }
0x90: {  	s1 =	rddreg [dreg:$0x1];
	p0 =	sne.s32 s2, $0x0  }
0x91: {  	s3 =	rddreg [dreg:$0x2];
	[bflag:$0x3] =	sbarrier.arrive $0xFFFF;
	s2 =	simm.s32 @!p0 $0x1C03  }
0x92: {  	[timem:s3], [sflag:s2] =	dma.local @!p0 [hbm:s0], s1  }
0x93: {  	s0 =	simm.s32 @!p0 $0x3  }
0x94: {  	_ =	swait.ge @!p0 [sflag:s0], s1  }
0x95: {  	s1 =	ssub.s32 @!p0 $0x0, s1;
	[sflag:s0] =	ssyncset.done @!p0 $0x0  }
0x96: {  	[sflag:s0] =	ssyncadd.s32 @!p0 s1  }
0x97: {  	[bflag:$0x3] =	sbarrier.arrive $0xFFFF  }
0x98: {  	_ =	shalt  }

// kernel: _run.8.cloned.1.call-start
scs
__scs_entry_jumppad:
0x0: {  	(pc) =	sbr.rel $0x88, $3  }
0x1: {  	(tag) =	ssettag $0x0;
	lr =	simm.s32 $0x1  }
0x2: {  	[smem:$0x3F97] =	sst lr;
	_ =	strace $0xD0000000  }
0x3: {  	_ = 	snop  }
0x4: {  	_ = 	snop  }
0x5: {  	_ = 	snop  }
0x6: {  	_ = 	snop  }
0x7: {  	_ = 	snop  }
__scs_overlays_trampoline_lowered:
0x8: {  	[smem:$0x3FA6] =	sst s0  }
0x9: {  	[smem:$0x3FA7] =	sst s1  }
0xa: {  	[smem:$0x3FA8] =	sst s2  }
0xb: {  	[smem:$0x3FA9] =	sst s3  }
0xc: {  	[smem:$0x3FAA] =	sst s4  }
0xd: {  	[smem:$0x3FAB] =	sst s5  }
0xe: {  	[smem:$0x3FAC] =	sst s6  }
0xf: {  	[smem:$0x3FAD] =	sst s7  }
0x10: {  	[smem:$0x3FAE] =	sst s8  }
0x11: {  	[smem:$0x3FAF] =	sst s9;
	s0 =	simm.s32 @!p0 $0x0  }
0x12: {  	s1 =	sld [smem:$0x3F95];
	s0 =	simm.s32 @p0 $0x1  }
0x13: {  	[smem:$0x3FB0] =	sst s0;
	s0 =	simm.s32 @!p1 $0x0  }
0x14: {  	s2 =	sld [smem:$0x3F94];
	s0 =	simm.s32 @p1 $0x1  }
0x15: {  	[smem:$0x3FB1] =	sst s0;
	s0 =	simm.s32 @!p2 $0x0  }
0x16: {  	s3 =	sld [smem:$0x3FDB];
	s0 =	simm.s32 @p2 $0x1  }
0x17: {  	s4 =	simm.s32 $0x1BF5;
	[smem:$0x3FB3] =	sst s0  }
0x18: {  	s0 =	sld [smem:$0x3F96];
	_ =	swait.ge [sflag:s4], $0x0  }
0x19: {  	s7 =	sld [smem:$0x3F97]  }
0x1a: {  	s8 =	sadd.s32 $0xFFFFE003, lr  }
0x1b: {  	s9 =	sadd.s32 $0xFFFFFEF7, lr;
	s5 =	simm.s32 $0xFFFFFFFF;
	p2 =	slt.u32 s8, $0xFFFFF086  }
0x1c: {  	p1 =	slt.u32 s9, $0xF7A;
	s5 =	simm.s32 @!p2 $0x0  }
0x1d: {  	s5 =	simm.s32 @p1 $0x1;
	p0 =	seq.s32 s7, s2  }
0x1e: {  	s7 =	smul.u32 @!p0 $0xF7A, s2;
	p2 =	seq.s32 @!p0 s5, $0x0  }
0x1f: {  	s9 =	smul.u32 $0xF7A, s1;
	s8 =	simm.s32 @!p0 $0x1BF5;
	p2 =	por !p2, p0  }
0x20: {  	[sflag:s8] =	ssyncset.s32 @!p0 $0xFFFFF086;
	s6 =	sadd.s32 @!p0 s3, s7;
	s7 =	simm.s32 @!p0 $0x108  }
0x21: {  	s3 =	sadd.s32 s3, s9;
	s6 =	sadd.s32 @!p0 $0x88, s6;
	s7 =	simm.s32 @p2 $0x1082  }
0x22: {  	[simem:s7], [sflag:s8] =	dma.local @!p0 [hbm:s6], $0xF7A  }
0x23: {  	s9 =	sor.u32 $0xD0000000, s2;
	s6 =	simm.s32 $0x108;
	_ =	swait.ge @!p0 [sflag:s8], $0x0  }
0x24: {  	s3 =	sadd.s32 $0x88, s3;
	s6 =	simm.s32 @!p1 $0x1082;
	[sflag:s4] =	ssyncset.s32 $0xFFFFF086  }
0x25: {  	[simem:s6], [sflag:s4] =	dma.local [hbm:s3], $0xF7A  }
0x26: {  	[smem:$0x3F97] =	sst s1;
	(tag) =	ssettag s2;
	_ =	strace s9  }
0x27: {  	s1 =	sld [smem:$0x3FA7]  }
0x28: {  	s2 =	sld [smem:$0x3FA8]  }
0x29: {  	s4 =	sld [smem:$0x3FAA]  }
0x2a: {  	p0 =	seq.s32 s5, $0x0;
	s5 =	sld [smem:$0x3FAB]  }
0x2b: {  	s6 =	sld [smem:$0x3FAC]  }
0x2c: {  	s7 =	sld [smem:$0x3FAD]  }
0x2d: {  	s3 =	simm.s32 $0x108;
	s8 =	sld [smem:$0x3FAE]  }
0x2e: {  	s3 =	simm.s32 @!p0 $0x1082;
	s9 =	sld [smem:$0x3FAF]  }
0x2f: {  	lr =	sadd.s32 s0, s3;
	s0 =	sld [smem:$0x3FA6]  }
0x30: {  	s3 =	sld [smem:$0x3FA9]  }
0x31: {  	[smem:$0x3FB2] =	sst s10  }
0x32: {  	s10 =	sld [smem:$0x3FB0];
	_ =	sdelay $0x3  }
0x33: {  	p0 =	seq.s32 s10, $0x1;
	s10 =	sld [smem:$0x3FB2];
	_ =	sdelay $0x3  }
0x34: {  	[smem:$0x3FB2] =	sst s10  }
0x35: {  	s10 =	sld [smem:$0x3FB1];
	_ =	sdelay $0x3  }
0x36: {  	p1 =	seq.s32 s10, $0x1;
	s10 =	sld [smem:$0x3FB2];
	_ =	sdelay $0x3  }
0x37: {  	[smem:$0x3FB2] =	sst s10  }
0x38: {  	s10 =	sld [smem:$0x3FB3]  }
0x39: {  	_ = 	snop;
	(pc) =	sbr.ind lr, $3  }
0x3a: {  	_ = 	snop  }
0x3b: {  	_ = 	snop  }
0x3c: {  	p2 =	seq.s32 s10, $0x1;
	s10 =	sld [smem:$0x3FB2]  }
0x3d: {  	_ =	shalt  }
0x3e: {  	_ =	shalt  }
0x3f: {  	_ =	shalt  }
0x40: {  	_ =	shalt  }
0x41: {  	_ =	shalt  }
0x42: {  	_ =	shalt  }
0x43: {  	_ =	shalt  }
0x44: {  	_ =	shalt  }
0x45: {  	_ =	shalt  }
0x46: {  	_ =	shalt  }
0x47: {  	_ =	shalt  }
0x48: {  	_ =	shalt  }
0x49: {  	_ =	shalt  }
0x4a: {  	_ =	shalt  }
0x4b: {  	_ =	shalt  }
0x4c: {  	_ =	shalt  }
0x4d: {  	_ =	shalt  }
0x4e: {  	_ =	shalt  }
0x4f: {  	_ =	shalt  }
0x50: {  	_ =	shalt  }
0x51: {  	_ =	shalt  }
0x52: {  	_ =	shalt  }
0x53: {  	_ =	shalt  }
0x54: {  	_ =	shalt  }
0x55: {  	_ =	shalt  }
0x56: {  	_ =	shalt  }
0x57: {  	_ =	shalt  }
0x58: {  	_ =	shalt  }
0x59: {  	_ =	shalt  }
0x5a: {  	_ =	shalt  }
0x5b: {  	_ =	shalt  }
0x5c: {  	_ =	shalt  }
0x5d: {  	_ =	shalt  }
0x5e: {  	_ =	shalt  }
0x5f: {  	_ =	shalt  }
0x60: {  	_ =	shalt  }
0x61: {  	_ =	shalt  }
0x62: {  	_ =	shalt  }
0x63: {  	_ =	shalt  }
0x64: {  	_ =	shalt  }
0x65: {  	_ =	shalt  }
0x66: {  	_ =	shalt  }
0x67: {  	_ =	shalt  }
0x68: {  	_ =	shalt  }
0x69: {  	_ =	shalt  }
0x6a: {  	_ =	shalt  }
0x6b: {  	_ =	shalt  }
0x6c: {  	_ =	shalt  }
0x6d: {  	_ =	shalt  }
0x6e: {  	_ =	shalt  }
0x6f: {  	_ =	shalt  }
0x70: {  	_ =	shalt  }
0x71: {  	_ =	shalt  }
0x72: {  	_ =	shalt  }
0x73: {  	_ =	shalt  }
0x74: {  	_ =	shalt  }
0x75: {  	_ =	shalt  }
0x76: {  	_ =	shalt  }
0x77: {  	_ =	shalt  }
0x78: {  	_ =	shalt  }
0x79: {  	_ =	shalt  }
0x7a: {  	_ =	shalt  }
0x7b: {  	_ =	shalt  }
0x7c: {  	_ =	shalt  }
0x7d: {  	_ =	shalt  }
0x7e: {  	_ =	shalt  }
0x7f: {  	_ =	shalt  }
0x80: {  	_ =	shalt  }
0x81: {  	_ =	shalt  }
0x82: {  	_ =	shalt  }
0x83: {  	_ =	shalt  }
0x84: {  	_ =	shalt  }
0x85: {  	_ =	shalt  }
0x86: {  	_ =	shalt  }
0x87: {  	_ =	shalt  }
.Lfunc_end0:
.L_simem_size_0:
called_computation_lowered:
.L_overlay_start_0:
0x88: {  	s2 =	sld [smem:$0x3FD9]  }
0x89: {  	s3 =	sld [smem:$0x3FFE];
	_ =	sdelay $0x1  }
0x8a: {  	s1 =	srdreg.scid  }
0x8b: {  	s0 =	sand.u32 $0x1, s1  }
0x8c: {  	s16 =	sshll.u32 s0, $0xA;
	s2 =	sadd.s32 s3, s2  }
0x8d: {  	s2 =	sadd.s32 s2, s16  }
0x8e: {  	[smem:$0x3FBE] =	sst s2  }
0x8f: {  	_ = 	snop  }
0x90: {  	(tm) =	ssettm $0x1  }
0x91: {  	s17 =	sld [smem:$0x3FFB];
	_ =	sdelay $0x3  }
0x92: {  	_ =	strace s17  }
0x93: {  	s2 =	sld [smem:$0x3FFC];
	_ =	sdelay $0x3  }
0x94: {  	_ =	strace s2  }
0x95: {  	s2 =	sld [smem:$0x3FFD];
	_ =	sdelay $0x3  }
0x96: {  	_ =	strace s2  }
0x97: {  	_ =	strace $0x8FFFFFFF  }
0x98: {  	s18 =	sld [smem:$0x3FDB];
	_ =	sdelay $0x1  }
0x99: {  	s19 =	simm.s32 $_scs_section_size  }
0x9a: {  	s4 =	simm.s32 $_size__tile_overlayer_lowered;
	s5 =	simm.s32 $_tile_overlayer_lowered  }
0x9b: {  	s22 =	simm.s32 $0x1BFF;
	s21 =	sshll.u32 s5, $0x1;
	s2 =	sadd.s32 s19, s18  }
0x9c: {  	s6 =	simm.s32 $0x0;
	s20 =	sshll.u32 s4, $0x1;
	s4 =	sadd.s32 s21, s2  }
0x9d: {  	[timem:s6], [sflag:s22] =	dma.local [hbm:s4], s20  }
0x9e: {  	_ =	swait.ge [sflag:s22], s20  }
0x9f: {  	s3 =	ssub.s32 $0x0, s20;
	[sflag:s22] =	ssyncset.done $0x0  }
0xa0: {  	[sflag:s22] =	ssyncadd.s32 s3;
	_ =	sdelay $0x1  }
0xa1: {  	s23 =	simm.s32 $0x1B8B  }
0xa2: {  	_ =	swait.ge [sflag:s23], $0x1  }
0xa3: {  	[sflag:s23] =	ssyncset.done $0x0  }
0xa4: {  	s25 =	simm.s32 $0x1B8E;
	s24 =	sld [smem:$0x3FFE];
	[sflag:s23] =	ssyncadd.s32 $0xFFFFFFFF  }
0xa5: {  	s26 =	simm.s32 $execute0_lowered;
	[smem:$0x3FD2] =	sst s25  }
0xa6: {  	s4 =	sshll.u32 s26, $0x1;
	_ =	strace $0x80000046;
	[dreg:$0x1] =	wrdreg $0xFFFFFFFF  }
0xa7: {  	s28 =	simm.s32 $_size_execute0_lowered;
	s2 =	sadd.s32 s2, s4;
	[dreg:$0x0] =	wrdreg $0x0  }
0xa8: {  	s4 =	sshll.u32 s28, $0x1;
	[dreg:$0x2] =	wrdreg s2  }
0xa9: {  	[dreg:$0x3] =	wrdreg s4  }
0xaa: {  	[dreg:$0x4] =	wrdreg $0xC0  }
0xab: {  	_ =	task [dreg:s6], $0x5FFFF  }
0xac: {  	[dreg:$0x1] =	wrdreg $0xFFFFFFFF  }
0xad: {  	[dreg:$0x0] =	wrdreg $0x60  }
0xae: {  	[dreg:$0x2] =	wrdreg s24  }
0xaf: {  	[dreg:$0x3] =	wrdreg $0x28800  }
0xb0: {  	[dreg:$0x4] =	wrdreg $0x9  }
0xb1: {  	_ =	task.clear_ibuf [dreg:s6], $0x5FFFF;
	_ =	strace $0x90000046  }
0xb2: {  	s29 =	simm.s32 $0x9;
	_ =	strace $0x80000048  }
0xb3: {  	_ =	swait.ge [sflag:s29], $0x1  }
0xb4: {  	[sflag:s29] =	ssyncadd.s32 $0xFFFFFFFF  }
0xb5: {  	_ =	strace $0x90000048  }
0xb6: {  	_ =	sfence  }
0xb7: {  	s30 =	sld [smem:$0x0];
	_ =	sdelay $0x2  }
0xb8: {  	s31 =	sshll.u32 s1, $0xD;
	s1 =	sshrl.u32 s1, $0x2  }
0xb9: {  	s3 =	sand.u32 $0x4000, s31;
	s1 =	sadd.s32 s1, s30  }
0xba: {  	s0 =	sor.u32 s3, s0;
	s1 =	sshll.u32 s1, $0x11  }
0xbb: {  	s0 =	sor.u32 s1, s0  }
0xbc: {  	s0 =	sadd.s32 $0x8F2B, s0  }
0xbd: {  	[sflag:s0] =	ssyncadd.remote.s32 $0x1  }
0xbe: {  	_ =	sfence.sel $0xFFFF  }
0xbf: {  	[dreg:$0x0] =	wrdreg $0xFFFFFFFF;
	(pc) =	sbr.abs _section_cstart, $3  }
0xc0: {  	[dreg:$0x1] =	wrdreg $0xFFFFFFFF  }
0xc1: {  	_ =	task.clear_ibuf [dreg:s6], $0x2FFFF;
	_ =	strace $0x9FFFFFFF  }
0xc2: {  	(tm) =	ssettm $0x7FFFFFFF  }
0xc3: {  	_ =	shalt  }
tec
execute0_lowered:
.L_overlay_start_1:
0x0: {  	(tag) =	ssettag $0x1  }
0x1: {  	s1 =	srdreg.scid;
	s5 =	rddreg [dreg:$0x0]  }
0x2: {  	s0 =	stileid.u32;
	s2 =	rddreg [dreg:$0x1];
	s3 =	simm.s32 $0x0  }
0x3: {  	s15 =	simm.s32 $0x1;
	s16 =	simm.s32 $0x2800;
	s17 =	simm.s32 $0x50  }
0x4: {  	s18 =	simm.s32 $0x2780;
	s21 =	simm.s32 $0x20;
	s22 =	simm.s32 $0x10  }
0x5: {  	s23 =	simm.s32 $0x0;
	s4 =	sand.u32 $0x1, s1;
	s7 =	smul.u32 $0x500, s0  }
0x6: {  	s28 =	sshll.u32 s0, $0x1;
	[smem:$0x7FF] =	sst s3;
	s9 =	smul.u32 $0xA00, s0  }
0x7: {  	s19 =	sshll.u32 s0, $0x6;
	s1 =	sor.u32 s4, s28;
	s8 =	sshll.u32 s4, $0x7  }
0x8: {  	s29 =	ssub.s32 $0x2, s4;
	s19 =	sor.u32 $0x1C01, s19;
	s6 =	smul.u32 $0x4E2, s1  }
0x9: {  	s1 =	rddreg [dreg:$0x2];
	_ =	strace $0x80000047;
	s7 =	sor.u32 s8, s7  }
0xa: {  	s30 =	sshrl.u32 s9, $0x2;
	s31 =	sshrl.u32 s29, $0x1;
	s7 =	sshrl.u32 s7, $0x3  }
0xb: {  	s4 =	sadd.s32 s30, s2;
	s14 =	ssub.s32 s29, s31;
	s6 =	sadd.s32 s6, s5  }
0xc: {  	s13 =	sadd.s32 s7, s5;
	s7 =	sadd.s32 $0xA0, s4;
	s8 =	sadd.s32 $0xF0, s4  }
0xd: {  	s9 =	sadd.s32 $0x140, s4;
	s10 =	sadd.s32 $0x190, s4;
	s11 =	sadd.s32 $0x1E0, s4  }
0xe: {  	s12 =	sadd.s32 $0x230, s4;
	s14 =	smax.u32 s14, $0x1;
	s20 =	sshrl.u32 s4, $0x3  }
0xf: {  	v0 =	vimm.f32 $1.000000000e+00;
	v1 =	vimm.f32 $0.0e+00;
	s5 =	sadd.s32 $0x2600, s6;
	s6 =	sadd.s32 $0x50, s4;
	s13 =	sadd.s32 $0x16200, s13  }
.LBB2_1:
0x10: {  	[tilespmem:s3], [sflag:$0x1] =	stream.linear.gather [hbm4b:s5+s3], $0x2710, $0x38;
	[tilespmem:$0x2B00] =	vst v63  }
0x11: {  	_ =	swait.ge [sflag:s15], $0x2710  }
0x12: {  	[sflag:s15] =	ssyncset.done $0x0  }
0x13: {  	[sflag:s15] =	ssyncadd.s32 $0xFFFFD8F0  }
0x14: {  	[tilespmem:$0x2780] =	vst v0  }
0x15: {  	[tilespmem:$0x2800] =	vst v1  }
0x16: {  	[tilespmem:$0x2790] =	vst v0  }
0x17: {  	[tilespmem:$0x2810] =	vst v1  }
0x18: {  	[tilespmem:$0x27A0] =	vst v0  }
0x19: {  	[tilespmem:$0x2820] =	vst v1  }
0x1a: {  	[tilespmem:$0x27B0] =	vst v0  }
0x1b: {  	[tilespmem:$0x2830] =	vst v1  }
0x1c: {  	[tilespmem:$0x27C0] =	vst v0  }
0x1d: {  	[tilespmem:$0x2840] =	vst v1  }
0x1e: {  	[spmem:s4] =	stream.linear.scatter [tilespmem:s16], [sflag:$0x1], $0x50, $0x38;
	[tilespmem:$0x2B00] =	vst v63  }
0x1f: {  	_ =	swait.ge [sflag:s15], $0x50  }
0x20: {  	[sflag:s15] =	ssyncset.done $0x0  }
0x21: {  	[sflag:s15] =	ssyncadd.s32 $0xFFFFFFB0  }
0x22: {  	[spmem:s6] =	stream.linear.scatter [tilespmem:s16], [sflag:$0x1], $0x50, $0x38;
	[tilespmem:$0x2B00] =	vst v63  }
0x23: {  	_ =	swait.ge [sflag:s15], $0x50  }
0x24: {  	[sflag:s15] =	ssyncset.done $0x0  }
0x25: {  	[sflag:s15] =	ssyncadd.s32 $0xFFFFFFB0  }
0x26: {  	[spmem:s7] =	stream.linear.scatter [tilespmem:s16], [sflag:$0x1], $0x50, $0x38;
	[tilespmem:$0x2B00] =	vst v63  }
0x27: {  	_ =	swait.ge [sflag:s15], $0x50  }
0x28: {  	[sflag:s15] =	ssyncset.done $0x0  }
0x29: {  	[sflag:s15] =	ssyncadd.s32 $0xFFFFFFB0  }
0x2a: {  	[spmem:s8] =	stream.linear.scatter [tilespmem:s16], [sflag:$0x1], $0x50, $0x38;
	[tilespmem:$0x2B00] =	vst v63  }
0x2b: {  	_ =	swait.ge [sflag:s15], $0x50  }
0x2c: {  	[sflag:s15] =	ssyncset.done $0x0  }
0x2d: {  	[sflag:s15] =	ssyncadd.s32 $0xFFFFFFB0  }
0x2e: {  	[spmem:s9] =	stream.linear.scatter [tilespmem:s16], [sflag:$0x1], $0x50, $0x38;
	[tilespmem:$0x2B00] =	vst v63  }
0x2f: {  	_ =	swait.ge [sflag:s15], $0x50  }
0x30: {  	[sflag:s15] =	ssyncset.done $0x0  }
0x31: {  	[sflag:s15] =	ssyncadd.s32 $0xFFFFFFB0  }
0x32: {  	[spmem:s10] =	stream.linear.scatter [tilespmem:s16], [sflag:$0x1], $0x50, $0x38;
	[tilespmem:$0x2B00] =	vst v63  }
0x33: {  	_ =	swait.ge [sflag:s15], $0x50  }
0x34: {  	[sflag:s15] =	ssyncset.done $0x0  }
0x35: {  	[sflag:s15] =	ssyncadd.s32 $0xFFFFFFB0  }
0x36: {  	[spmem:s11] =	stream.linear.scatter [tilespmem:s16], [sflag:$0x1], $0x50, $0x38;
	[tilespmem:$0x2B00] =	vst v63  }
0x37: {  	_ =	swait.ge [sflag:s15], $0x50  }
0x38: {  	[sflag:s15] =	ssyncset.done $0x0  }
0x39: {  	[sflag:s15] =	ssyncadd.s32 $0xFFFFFFB0  }
0x3a: {  	[spmem:s12] =	stream.linear.scatter [tilespmem:s16], [sflag:$0x1], $0x50, $0x38;
	[tilespmem:$0x2B00] =	vst v63  }
0x3b: {  	_ =	swait.ge [sflag:s15], $0x50  }
0x3c: {  	[sflag:s15] =	ssyncset.done $0x0  }
0x3d: {  	[sflag:s15] =	ssyncadd.s32 $0xFFFFFFB0  }
0x3e: {  	s24 =	simm.s32 $0x0;
	[bflag:$0x0] =	sbarrier.arrive $0xFFFF  }
0x3f: {  	[spmem:s2] =	stream.indirect.scatter.add.f32 [tilespmem:s18], [sflag:$0x1], $0x1, s24, s17, $0xb8;
	[tilespmem:$0x2B00] =	vst v63  }
0x40: {  	_ =	swait.ge [sflag:s15], $0x50  }
0x41: {  	s24 =	simm.s32 $0x140;
	[sflag:s15] =	ssyncset.done $0x0  }
.LBB2_2:
0x42: {  	s25 =	sshra.s32 s24, $0x2;
	[sflag:s15] =	ssyncadd.s32 $0xFFFFFFB0;
	p0 =	sne.s32 s24, $0x9B00  }
0x43: {  	[spmem:s2] =	stream.indirect.scatter.add.f32 [tilespmem:s18], [sflag:$0x1], $0x1, s25, s17, $0xb8;
	[tilespmem:$0x2B00] =	vst v63  }
.Ltmp0:
0x44: {  	_ = 	snop;
	(pc) =	sbr.rel @p0 .LBB2_2-.Ltmp0, $4  }
0x45: {  	_ = 	snop  }
0x46: {  	s24 =	sadd.s32 $0x140, s24  }
0x47: {  	_ =	swait.ge [sflag:s15], $0x50  }
0x48: {  	[sflag:s15] =	ssyncset.done $0x0  }
0x49: {  	s23 =	sadd.s32 $0x1, s23  }
0x4a: {  	[sflag:s15] =	ssyncadd.s32 $0xFFFFFFB0;
	p0 =	sne.s32 s23, s14  }
.Ltmp1:
0x4b: {  	[bflag:$0x0] =	sbarrier.arrive $0xFFFF;
	(pc) =	sbr.rel @p0 .LBB2_1-.Ltmp1, $4  }
0x4c: {  	[hbm:s13@s21], [sflag:s19] =	dma.strided [spmem:s20@s22], $0x50, s15, $0x10   }
0x4d: {  	_ =	swait.ge [sflag:s15], $0x50  }
0x4e: {  	[sflag:s15] =	ssyncset.done $0x0  }
0x4f: {  	[sflag:s15] =	ssyncadd.s32 $0xFFFFFFB0  }
0x50: {  	_ =	sfence.sel $0x180000  }
0x51: {  	[bflag:$0x0] =	sbarrier.arrive $0xFFFF  }
0x52: {  	p0 =	sne.s32 s0, $0x0;
	_ =	strace $0x90000047  }
0x53: {  	s0 =	sadd.s32 @!p0 $0x100000, s1;
	[bflag:$0x2] =	sbarrier.arrive $0xFFFF  }
0x54: {  	[sflag:s0] =	ssyncadd.tile.s32 @!p0 $0x1;
	_ =	shalt  }
.Lfunc_end2:
_tile_overlayer_lowered:
.L_overlay_start_2:
0x55: {  	(tag) =	ssettag $0x2  }
0x56: {  	s0 =	rddreg [dreg:$0x0];
	s2 =	stileid.u32  }
0x57: {  	s1 =	rddreg [dreg:$0x1];
	p0 =	sne.s32 s2, $0x0  }
0x58: {  	s3 =	rddreg [dreg:$0x2];
	[bflag:$0x3] =	sbarrier.arrive $0xFFFF;
	s2 =	simm.s32 @!p0 $0x1C01  }
0x59: {  	[timem:s3], [sflag:s2] =	dma.local @!p0 [hbm:s0], s1  }
0x5a: {  	s0 =	simm.s32 @!p0 $0x1  }
0x5b: {  	_ =	swait.ge @!p0 [sflag:s0], s1  }
0x5c: {  	s1 =	ssub.s32 @!p0 $0x0, s1;
	[sflag:s0] =	ssyncset.done @!p0 $0x0  }
0x5d: {  	[sflag:s0] =	ssyncadd.s32 @!p0 s1  }
0x5e: {  	[bflag:$0x3] =	sbarrier.arrive $0xFFFF  }
0x5f: {  	_ =	shalt  }

</sc_bundles>
